<compile_context>
chip_gen: v7x
topology: tpu7x:2x2x1
jax: 0.10.2.dev20260603
libtpu: 0.0.44.dev20260713+nightly
codegen_flags: <defaults>
</compile_context>

<pallas_src>
import functools

import jax
import jax.numpy as jnp
from jax import lax
from jax.experimental import pallas as pl
from jax.experimental.pallas import tpu as pltpu
from jax.experimental.pallas import tpu_sc as plsc


def _dot_t(a, w):
    return lax.dot_general(a, w, (((1,), (1,)), ((), ())),
                           preferred_element_type=jnp.float32)


def _sc_gather(emb, idx):
    n = idx.shape[0]
    h = emb.shape[1]
    info = plsc.get_sparse_core_info()
    nw = info.num_cores * info.num_subcores
    n_per = n // nw
    nc = n_per // 2

    @functools.partial(
        pl.kernel,
        out_type=jax.ShapeDtypeStruct((n, h), jnp.float32),
        mesh=plsc.VectorSubcoreMesh(core_axis_name="c", subcore_axis_name="s"),
        scratch_types=[
            pltpu.VMEM((nc,), jnp.int32),
            pltpu.VMEM((nc,), jnp.int32),
            pltpu.VMEM((nc, h), jnp.float32),
            pltpu.VMEM((nc, h), jnp.float32),
            pltpu.SemaphoreType.DMA,
            pltpu.SemaphoreType.DMA,
        ],
    )
    def k(emb_hbm, idx_hbm, out, i0, i1, r0, r1, s0, s1):
        wid = lax.axis_index("s") * info.num_cores + lax.axis_index("c")
        base = wid * n_per
        pltpu.sync_copy(idx_hbm.at[pl.ds(base, nc)], i0)
        pltpu.sync_copy(idx_hbm.at[pl.ds(base + nc, nc)], i1)
        c0 = pltpu.async_copy(emb_hbm.at[i0], r0, s0)
        c1 = pltpu.async_copy(emb_hbm.at[i1], r1, s1)
        c0.wait()
        pltpu.sync_copy(r0, out.at[pl.ds(base, nc)])
        c1.wait()
        pltpu.sync_copy(r1, out.at[pl.ds(base + nc, nc)])

    return k(emb, idx)


def _split_gates(gates, hh):
    i = jax.nn.sigmoid(gates[:, :hh])
    f = jax.nn.sigmoid(gates[:, hh:2 * hh])
    g = jnp.tanh(gates[:, 2 * hh:3 * hh])
    o = jax.nn.sigmoid(gates[:, 3 * hh:])
    return i, f, g, o


def _masked_xw(x, ids3, w, bias):
    m, h = x.shape
    n4 = w.shape[0]
    bm, bn = 512, 2048

    def body(x_ref, ids_ref, w_ref, b_ref, o_ref):
        mask = (ids_ref[0, 0, :] != 0).astype(jnp.float32)
        o_ref[...] = _dot_t(x_ref[...] * mask[:, None], w_ref[...]) + b_ref[...]

    return pl.pallas_call(
        body,
        grid=(n4 // bn, m // bm),
        in_specs=[
            pl.BlockSpec((bm, h), lambda n, mm: (mm, 0)),
            pl.BlockSpec((1, 1, bm), lambda n, mm: (mm, 0, 0)),
            pl.BlockSpec((bn, h), lambda n, mm: (n, 0)),
            pl.BlockSpec((1, bn), lambda n, mm: (0, n)),
        ],
        out_specs=pl.BlockSpec((bm, bn), lambda n, mm: (mm, n)),
        out_shape=jax.ShapeDtypeStruct((m, n4), jnp.float32),
        compiler_params=pltpu.CompilerParams(
            dimension_semantics=("arbitrary", "arbitrary")),
    )(x, ids3, w, bias)


def _encoder(xw_seq, w_hh):
    s_len, b, h4 = xw_seq.shape
    h = h4 // 4

    def body(xw_ref, whh_ref, h_out, c_out, h_scr, c_scr):
        s = pl.program_id(0)

        @pl.when(s == 0)
        def _():
            h_scr[...] = jnp.zeros_like(h_scr)
            c_scr[...] = jnp.zeros_like(c_scr)

        hprev = h_scr[...]
        c = c_scr[...]
        gates = xw_ref[0] + _dot_t(hprev, whh_ref[...])
        i, f, g, o = _split_gates(gates, h)
        c2 = f * c + i * g
        h2 = o * jnp.tanh(c2)
        h_scr[...] = h2
        c_scr[...] = c2

        @pl.when(s == s_len - 1)
        def _():
            h_out[...] = h2
            c_out[...] = c2

    return pl.pallas_call(
        body,
        grid=(s_len,),
        in_specs=[
            pl.BlockSpec((1, b, h4), lambda s: (s, 0, 0)),
            pl.BlockSpec(w_hh.shape, lambda s: (0, 0)),
        ],
        out_specs=[
            pl.BlockSpec((b, h), lambda s: (0, 0)),
            pl.BlockSpec((b, h), lambda s: (0, 0)),
        ],
        out_shape=[
            jax.ShapeDtypeStruct((b, h), jnp.float32),
            jax.ShapeDtypeStruct((b, h), jnp.float32),
        ],
        scratch_shapes=[
            pltpu.VMEM((b, h), jnp.float32),
            pltpu.VMEM((b, h), jnp.float32),
        ],
        compiler_params=pltpu.CompilerParams(
            dimension_semantics=("arbitrary",)),
    )(xw_seq, w_hh)


def _decoder(xw_seq, w_hh, h_enc, c_enc, w_tl_h, w_tl_e, b_tl):
    s_len, b, h4 = xw_seq.shape
    h = h4 // 4

    def body(xw_ref, whh_ref, he_ref, ce_ref, wtlh_ref, wtle_ref, btl_ref,
             comb_out, h_scr, c_scr, const_scr):
        s = pl.program_id(0)

        @pl.when(s == 0)
        def _():
            h_scr[...] = he_ref[...]
            c_scr[...] = ce_ref[...]
            const_scr[...] = _dot_t(he_ref[...], wtle_ref[...]) + btl_ref[...]

        hprev = h_scr[...]
        c = c_scr[...]
        gates = xw_ref[0] + _dot_t(hprev, whh_ref[...])
        i, f, g, o = _split_gates(gates, h)
        c2 = f * c + i * g
        h2 = o * jnp.tanh(c2)
        h_scr[...] = h2
        c_scr[...] = c2
        comb_out[:, 0, 0, :] = jnp.tanh(
            _dot_t(h2, wtlh_ref[...]) + const_scr[...])

    return pl.pallas_call(
        body,
        grid=(s_len,),
        in_specs=[
            pl.BlockSpec((1, b, h4), lambda s: (s, 0, 0)),
            pl.BlockSpec(w_hh.shape, lambda s: (0, 0)),
            pl.BlockSpec((b, h), lambda s: (0, 0)),
            pl.BlockSpec((b, h), lambda s: (0, 0)),
            pl.BlockSpec(w_tl_h.shape, lambda s: (0, 0)),
            pl.BlockSpec(w_tl_e.shape, lambda s: (0, 0)),
            pl.BlockSpec(b_tl.shape, lambda s: (0, 0)),
        ],
        out_specs=pl.BlockSpec((b, 1, 1, h), lambda s: (0, s, 0, 0)),
        out_shape=jax.ShapeDtypeStruct((b, s_len, 1, h), jnp.float32),
        scratch_shapes=[
            pltpu.VMEM((b, h), jnp.float32),
            pltpu.VMEM((b, h), jnp.float32),
            pltpu.VMEM((b, h), jnp.float32),
        ],
        compiler_params=pltpu.CompilerParams(
            dimension_semantics=("arbitrary",)),
    )(xw_seq, w_hh, h_enc, c_enc, w_tl_h, w_tl_e, b_tl)


def _project(comb, w_lin, b_lin):
    m, h = comb.shape
    v = w_lin.shape[0]
    bn = 1024

    def body(c_ref, w_ref, b_ref, o_ref):
        o_ref[...] = _dot_t(c_ref[...], w_ref[...]) + b_ref[...]

    return pl.pallas_call(
        body,
        grid=(v // bn,),
        in_specs=[
            pl.BlockSpec((m, h), lambda n: (0, 0)),
            pl.BlockSpec((bn, h), lambda n: (n, 0)),
            pl.BlockSpec((1, bn), lambda n: (0, n)),
        ],
        out_specs=pl.BlockSpec((m, bn), lambda n: (0, n)),
        out_shape=jax.ShapeDtypeStruct((m, v), jnp.float32),
        compiler_params=pltpu.CompilerParams(
            dimension_semantics=("arbitrary",)),
    )(comb, w_lin, b_lin)


def kernel(input_ids, target_ids, emb_in, emb_tgt, W_ih_e, W_hh_e, b_ih_e,
           b_hh_e, W_ih_d, W_hh_d, b_ih_d, b_hh_d, W_tl, b_tl, W_lin, b_lin):
    b, s_in = input_ids.shape
    s_out = target_ids.shape[1]
    h = W_hh_e.shape[1]
    v = W_lin.shape[0]

    ids_in = input_ids.T.reshape(-1)
    ids_tgt = target_ids.T.reshape(-1)
    x_in_flat = _sc_gather(emb_in, ids_in)
    x_tgt_flat = _sc_gather(emb_tgt, ids_tgt)

    bm = 512
    xw_in = _masked_xw(x_in_flat, ids_in.reshape(s_in * b // bm, 1, bm),
                       W_ih_e, (b_ih_e + b_hh_e).reshape(1, -1))
    xw_tgt = _masked_xw(x_tgt_flat, ids_tgt.reshape(s_out * b // bm, 1, bm),
                        W_ih_d, (b_ih_d + b_hh_d).reshape(1, -1))
    h_enc, c_enc = _encoder(xw_in.reshape(s_in, b, 4 * h), W_hh_e)
    comb = _decoder(xw_tgt.reshape(s_out, b, 4 * h), W_hh_d,
                    h_enc, c_enc, W_tl[:, :h], W_tl[:, h:],
                    b_tl.reshape(1, -1))
    comb_flat = comb.reshape(b * s_out, h)
    logits = _project(comb_flat, W_lin, b_lin.reshape(1, -1))
    return logits.reshape(b, s_out, v)

# --- scband reference (transcript-rebuilt; emitter-appended) ---
"""Pipeline reference for scband-encoder-decoder-17403207483739 (READ-ONLY COPY).

The authoritative reference and input builder live on the scoring server;
editing this copy changes nothing except your own understanding.
"""

import jax, jax.numpy as jnp
import numpy as np


def _lstm_cell(x, h, c, W_ih, W_hh, b_ih, b_hh):
    # PyTorch LSTMCell gate order: i, f, g, o
    gates = x @ W_ih.T + b_ih + h @ W_hh.T + b_hh
    i, f, g, o = jnp.split(gates, 4, axis=-1)
    i = jax.nn.sigmoid(i)
    f = jax.nn.sigmoid(f)
    g = jnp.tanh(g)
    o = jax.nn.sigmoid(o)
    c2 = f * c + i * g
    h2 = o * jnp.tanh(c2)
    return h2, c2


def setup_inputs(seed: int = 0) -> dict:
    key = jax.random.key(seed)
    ks = jax.random.split(key, 20)
    B, S_in, S_out = 64, 32, 32
    V_in, V_out, H = 8192, 8192, 1024
    s = 1.0 / np.sqrt(H)
    inp = {}
    inp["input_ids"] = jax.random.randint(ks[0], (B, S_in), 0, V_in, dtype=jnp.int32)
    inp["target_ids"] = jax.random.randint(ks[1], (B, S_out), 0, V_out, dtype=jnp.int32)
    inp["emb_in"] = jax.random.normal(ks[2], (V_in, H), dtype=jnp.float32)
    inp["emb_tgt"] = jax.random.normal(ks[3], (V_out, H), dtype=jnp.float32)
    inp["W_ih_e"] = jax.random.uniform(ks[4], (4 * H, H), jnp.float32, -s, s)
    inp["W_hh_e"] = jax.random.uniform(ks[5], (4 * H, H), jnp.float32, -s, s)
    inp["b_ih_e"] = jax.random.uniform(ks[6], (4 * H,), jnp.float32, -s, s)
    inp["b_hh_e"] = jax.random.uniform(ks[7], (4 * H,), jnp.float32, -s, s)
    inp["W_ih_d"] = jax.random.uniform(ks[8], (4 * H, H), jnp.float32, -s, s)
    inp["W_hh_d"] = jax.random.uniform(ks[9], (4 * H, H), jnp.float32, -s, s)
    inp["b_ih_d"] = jax.random.uniform(ks[10], (4 * H,), jnp.float32, -s, s)
    inp["b_hh_d"] = jax.random.uniform(ks[11], (4 * H,), jnp.float32, -s, s)
    inp["W_tl"] = jax.random.uniform(ks[12], (H, 2 * H), jnp.float32, -1.0 / np.sqrt(2 * H), 1.0 / np.sqrt(2 * H))
    inp["b_tl"] = jax.random.uniform(ks[13], (H,), jnp.float32, -1.0 / np.sqrt(2 * H), 1.0 / np.sqrt(2 * H))
    inp["W_lin"] = jax.random.uniform(ks[14], (V_out, H), jnp.float32, -s, s)
    inp["b_lin"] = jax.random.uniform(ks[15], (V_out,), jnp.float32, -s, s)
    return inp


def reference(input_ids, target_ids, emb_in, emb_tgt, W_ih_e, W_hh_e, b_ih_e, b_hh_e,
              W_ih_d, W_hh_d, b_ih_d, b_hh_d, W_tl, b_tl, W_lin, b_lin):
    # padding_idx=0 -> row 0 of each embedding table is zero
    emb_in = emb_in.at[0].set(0.0)
    emb_tgt = emb_tgt.at[0].set(0.0)
    B = input_ids.shape[0]
    H = W_hh_e.shape[1]
    # Encoder: run LSTMCell over the input sequence
    x_in = jnp.take(emb_in, input_ids, axis=0).transpose(1, 0, 2)  # [S_in, B, H]
    h0 = jnp.zeros((B, H), jnp.float32)
    c0 = jnp.zeros((B, H), jnp.float32)

    def enc_step(carry, x):
        h, c = carry
        h2, c2 = _lstm_cell(x, h, c, W_ih_e, W_hh_e, b_ih_e, b_hh_e)
        return (h2, c2), None

    (h_enc, c_enc), _ = jax.lax.scan(enc_step, (h0, c0), x_in)
    # Decoder: LSTMCell over target sequence, initialized from encoder state;
    # each step combines decoder hidden with final encoder hidden via target_linear,
    # then projects to output vocab via linear.
    x_tgt = jnp.take(emb_tgt, target_ids, axis=0).transpose(1, 0, 2)  # [S_out, B, H]

    def dec_step(carry, x):
        h, c = carry
        h2, c2 = _lstm_cell(x, h, c, W_ih_d, W_hh_d, b_ih_d, b_hh_d)
        comb = jnp.tanh(jnp.concatenate([h2, h_enc], axis=-1) @ W_tl.T + b_tl)
        logits = comb @ W_lin.T + b_lin
        return (h2, c2), logits

    _, logits = jax.lax.scan(dec_step, (h_enc, c_enc), x_tgt)  # [S_out, B, V]
    return logits.transpose(1, 0, 2)  # [B, S_out, V]

if __name__ == "__main__":
    import jax
    _d = setup_inputs()
    print(jax.jit(kernel)(*tuple(_d.values())))

</pallas_src>

<mosaic_0001>
#map = affine_map<(d0, d1) -> (0, 0)>
#map1 = affine_map<(d0, d1) -> (0)>
module attributes {stable_mosaic.version = 14 : i64} {
  func.func @k(%arg0: i32, %arg1: i32, %arg2: memref<8192x1024xf32, #tpu.memory_space<hbm>>, %arg3: memref<2048xi32, #tpu.memory_space<hbm>>, %arg4: memref<2048x1024xf32, #tpu.memory_space<hbm>>, %arg5: memref<32xi32, #tpu.memory_space<vmem>>, %arg6: memref<32xi32, #tpu.memory_space<vmem>>, %arg7: memref<32x1024xf32, #tpu.memory_space<vmem>>, %arg8: memref<32x1024xf32, #tpu.memory_space<vmem>>, %arg9: memref<!tpu.dma_semaphore, #tpu.memory_space<semaphore_mem>>, %arg10: memref<!tpu.dma_semaphore, #tpu.memory_space<semaphore_mem>>) attributes {dimension_semantics = [#tpu.dimension_semantics<core_parallel>, #tpu.dimension_semantics<subcore_parallel>], iteration_bounds = array<i64: 2, 16>, scalar_prefetch = 0 : i64, scratch_operands = 6 : i64, tpu.core_type = #tpu.core_type<sc_vector_subcore>, window_params = [{transform_indices = #map}, {transform_indices = #map1}, {transform_indices = #map}]} {
    %mul3A = arith.constant 2 : i32
    %mul3A_0 = arith.muli %arg1, %mul3A : i32
    %add3A = arith.addi %mul3A_0, %arg0 : i32
    %mul3A_1 = arith.constant 64 : i32
    %mul3A_2 = arith.muli %add3A, %mul3A_1 : i32
    "tpu.region"() ({
      %run_scoped3A = tpu.sem_alloc : memref<!tpu.dma_semaphore, #tpu.memory_space<semaphore_mem>>
      %dma_start3A_17 = tpu.memref_slice %arg3[%mul3A_2] : memref<2048xi32, #tpu.memory_space<hbm>> -> memref<32xi32, #tpu.memory_space<hbm>>
      %dma_start3A_18 = tpu.memref_slice %arg3[%mul3A_2] : memref<2048xi32, #tpu.memory_space<hbm>> -> memref<32xi32, #tpu.memory_space<hbm>>
      tpu.enqueue_dma source(%dma_start3A_18 : memref<32xi32, #tpu.memory_space<hbm>>) target(%arg5 : memref<32xi32, #tpu.memory_space<vmem>>) target_semaphore(%run_scoped3A : memref<!tpu.dma_semaphore, #tpu.memory_space<semaphore_mem>>)
      %dma_wait3A_19 = tpu.memref_slice %arg3[%mul3A_2] : memref<2048xi32, #tpu.memory_space<hbm>> -> memref<32xi32, #tpu.memory_space<hbm>>
      %dma_wait3A_20 = tpu.memref_slice %arg3[%mul3A_2] : memref<2048xi32, #tpu.memory_space<hbm>> -> memref<32xi32, #tpu.memory_space<hbm>>
      tpu.wait_dma2 semaphore(%run_scoped3A : memref<!tpu.dma_semaphore, #tpu.memory_space<semaphore_mem>>) src(%dma_wait3A_20 : memref<32xi32, #tpu.memory_space<hbm>>) dst(%arg5 : memref<32xi32, #tpu.memory_space<vmem>>)
      tpu.yield
    }) : () -> ()
    %add3A_3 = arith.constant 32 : i32
    %add3A_4 = arith.addi %mul3A_2, %add3A_3 : i32
    "tpu.region"() ({
      %run_scoped3A = tpu.sem_alloc : memref<!tpu.dma_semaphore, #tpu.memory_space<semaphore_mem>>
      %dma_start3A_17 = tpu.memref_slice %arg3[%add3A_4] : memref<2048xi32, #tpu.memory_space<hbm>> -> memref<32xi32, #tpu.memory_space<hbm>>
      %dma_start3A_18 = tpu.memref_slice %arg3[%add3A_4] : memref<2048xi32, #tpu.memory_space<hbm>> -> memref<32xi32, #tpu.memory_space<hbm>>
      tpu.enqueue_dma source(%dma_start3A_18 : memref<32xi32, #tpu.memory_space<hbm>>) target(%arg6 : memref<32xi32, #tpu.memory_space<vmem>>) target_semaphore(%run_scoped3A : memref<!tpu.dma_semaphore, #tpu.memory_space<semaphore_mem>>)
      %dma_wait3A_19 = tpu.memref_slice %arg3[%add3A_4] : memref<2048xi32, #tpu.memory_space<hbm>> -> memref<32xi32, #tpu.memory_space<hbm>>
      %dma_wait3A_20 = tpu.memref_slice %arg3[%add3A_4] : memref<2048xi32, #tpu.memory_space<hbm>> -> memref<32xi32, #tpu.memory_space<hbm>>
      tpu.wait_dma2 semaphore(%run_scoped3A : memref<!tpu.dma_semaphore, #tpu.memory_space<semaphore_mem>>) src(%dma_wait3A_20 : memref<32xi32, #tpu.memory_space<hbm>>) dst(%arg6 : memref<32xi32, #tpu.memory_space<vmem>>)
      tpu.yield
    }) : () -> ()
    %dma_start3A = arith.constant 0 : i32
    %dma_start3A_5 = arith.constant 0 : i32
    %dma_start3A_6 = tpu.memref_slice %arg2[%dma_start3A, %dma_start3A_5] : memref<8192x1024xf32, #tpu.memory_space<hbm>> -> memref<8192x1024xf32, #tpu.memory_space<hbm>>
    tpu.enqueue_indirect_dma source(%dma_start3A_6 : memref<8192x1024xf32, #tpu.memory_space<hbm>>) target(%arg7 : memref<32x1024xf32, #tpu.memory_space<vmem>>) offsets(%arg5 : memref<32xi32, #tpu.memory_space<vmem>>) semaphore(%arg9 : memref<!tpu.dma_semaphore, #tpu.memory_space<semaphore_mem>>)
    %dma_start3A_7 = arith.constant 0 : i32
    %dma_start3A_8 = arith.constant 0 : i32
    %dma_start3A_9 = tpu.memref_slice %arg2[%dma_start3A_7, %dma_start3A_8] : memref<8192x1024xf32, #tpu.memory_space<hbm>> -> memref<8192x1024xf32, #tpu.memory_space<hbm>>
    tpu.enqueue_indirect_dma source(%dma_start3A_9 : memref<8192x1024xf32, #tpu.memory_space<hbm>>) target(%arg8 : memref<32x1024xf32, #tpu.memory_space<vmem>>) offsets(%arg6 : memref<32xi32, #tpu.memory_space<vmem>>) semaphore(%arg10 : memref<!tpu.dma_semaphore, #tpu.memory_space<semaphore_mem>>)
    %dma_wait3A = arith.constant 0 : i32
    %dma_wait3A_10 = arith.constant 0 : i32
    %dma_wait3A_11 = tpu.memref_slice %arg2[%dma_wait3A, %dma_wait3A_10] : memref<8192x1024xf32, #tpu.memory_space<hbm>> -> memref<8192x1024xf32, #tpu.memory_space<hbm>>
    tpu.wait_indirect_dma semaphore(%arg9 : memref<!tpu.dma_semaphore, #tpu.memory_space<semaphore_mem>>) src(%dma_wait3A_11 : memref<8192x1024xf32, #tpu.memory_space<hbm>>) dst(%arg7 : memref<32x1024xf32, #tpu.memory_space<vmem>>)
    "tpu.region"() ({
      %run_scoped3A = tpu.sem_alloc : memref<!tpu.dma_semaphore, #tpu.memory_space<semaphore_mem>>
      %dma_start3A_17 = arith.constant 0 : i32
      %dma_start3A_18 = tpu.memref_slice %arg4[%mul3A_2, %dma_start3A_17] : memref<2048x1024xf32, #tpu.memory_space<hbm>> -> memref<32x1024xf32, #tpu.memory_space<hbm>>
      %dma_start3A_19 = arith.constant 0 : i32
      %dma_start3A_20 = tpu.memref_slice %arg4[%mul3A_2, %dma_start3A_19] : memref<2048x1024xf32, #tpu.memory_space<hbm>> -> memref<32x1024xf32, #tpu.memory_space<hbm>>
      tpu.enqueue_dma source(%arg7 : memref<32x1024xf32, #tpu.memory_space<vmem>>) target(%dma_start3A_20 : memref<32x1024xf32, #tpu.memory_space<hbm>>) target_semaphore(%run_scoped3A : memref<!tpu.dma_semaphore, #tpu.memory_space<semaphore_mem>>)
      %dma_wait3A_21 = arith.constant 0 : i32
      %dma_wait3A_22 = tpu.memref_slice %arg4[%mul3A_2, %dma_wait3A_21] : memref<2048x1024xf32, #tpu.memory_space<hbm>> -> memref<32x1024xf32, #tpu.memory_space<hbm>>
      %dma_wait3A_23 = arith.constant 0 : i32
      %dma_wait3A_24 = tpu.memref_slice %arg4[%mul3A_2, %dma_wait3A_23] : memref<2048x1024xf32, #tpu.memory_space<hbm>> -> memref<32x1024xf32, #tpu.memory_space<hbm>>
      tpu.wait_dma2 semaphore(%run_scoped3A : memref<!tpu.dma_semaphore, #tpu.memory_space<semaphore_mem>>) src(%arg7 : memref<32x1024xf32, #tpu.memory_space<vmem>>) dst(%dma_wait3A_24 : memref<32x1024xf32, #tpu.memory_space<hbm>>)
      tpu.yield
    }) : () -> ()
    %dma_wait3A_12 = arith.constant 0 : i32
    %dma_wait3A_13 = arith.constant 0 : i32
    %dma_wait3A_14 = tpu.memref_slice %arg2[%dma_wait3A_12, %dma_wait3A_13] : memref<8192x1024xf32, #tpu.memory_space<hbm>> -> memref<8192x1024xf32, #tpu.memory_space<hbm>>
    tpu.wait_indirect_dma semaphore(%arg10 : memref<!tpu.dma_semaphore, #tpu.memory_space<semaphore_mem>>) src(%dma_wait3A_14 : memref<8192x1024xf32, #tpu.memory_space<hbm>>) dst(%arg8 : memref<32x1024xf32, #tpu.memory_space<vmem>>)
    %add3A_15 = arith.constant 32 : i32
    %add3A_16 = arith.addi %mul3A_2, %add3A_15 : i32
    "tpu.region"() ({
      %run_scoped3A = tpu.sem_alloc : memref<!tpu.dma_semaphore, #tpu.memory_space<semaphore_mem>>
      %dma_start3A_17 = arith.constant 0 : i32
      %dma_start3A_18 = tpu.memref_slice %arg4[%add3A_16, %dma_start3A_17] : memref<2048x1024xf32, #tpu.memory_space<hbm>> -> memref<32x1024xf32, #tpu.memory_space<hbm>>
      %dma_start3A_19 = arith.constant 0 : i32
      %dma_start3A_20 = tpu.memref_slice %arg4[%add3A_16, %dma_start3A_19] : memref<2048x1024xf32, #tpu.memory_space<hbm>> -> memref<32x1024xf32, #tpu.memory_space<hbm>>
      tpu.enqueue_dma source(%arg8 : memref<32x1024xf32, #tpu.memory_space<vmem>>) target(%dma_start3A_20 : memref<32x1024xf32, #tpu.memory_space<hbm>>) target_semaphore(%run_scoped3A : memref<!tpu.dma_semaphore, #tpu.memory_space<semaphore_mem>>)
      %dma_wait3A_21 = arith.constant 0 : i32
      %dma_wait3A_22 = tpu.memref_slice %arg4[%add3A_16, %dma_wait3A_21] : memref<2048x1024xf32, #tpu.memory_space<hbm>> -> memref<32x1024xf32, #tpu.memory_space<hbm>>
      %dma_wait3A_23 = arith.constant 0 : i32
      %dma_wait3A_24 = tpu.memref_slice %arg4[%add3A_16, %dma_wait3A_23] : memref<2048x1024xf32, #tpu.memory_space<hbm>> -> memref<32x1024xf32, #tpu.memory_space<hbm>>
      tpu.wait_dma2 semaphore(%run_scoped3A : memref<!tpu.dma_semaphore, #tpu.memory_space<semaphore_mem>>) src(%arg8 : memref<32x1024xf32, #tpu.memory_space<vmem>>) dst(%dma_wait3A_24 : memref<32x1024xf32, #tpu.memory_space<hbm>>)
      tpu.yield
    }) : () -> ()
    return
  }
}

#map = affine_map<(d0, d1) -> (0, 0)>
#map1 = affine_map<(d0, d1) -> (0)>
module attributes {stable_mosaic.version = 14 : i64} {
  func.func @k(%arg0: i32, %arg1: i32, %arg2: memref<8192x1024xf32, #tpu.memory_space<hbm>>, %arg3: memref<2048xi32, #tpu.memory_space<hbm>>, %arg4: memref<2048x1024xf32, #tpu.memory_space<hbm>>, %arg5: memref<32xi32, #tpu.memory_space<vmem>>, %arg6: memref<32xi32, #tpu.memory_space<vmem>>, %arg7: memref<32x1024xf32, #tpu.memory_space<vmem>>, %arg8: memref<32x1024xf32, #tpu.memory_space<vmem>>, %arg9: memref<!tpu.dma_semaphore, #tpu.memory_space<semaphore_mem>>, %arg10: memref<!tpu.dma_semaphore, #tpu.memory_space<semaphore_mem>>) attributes {dimension_semantics = [#tpu.dimension_semantics<core_parallel>, #tpu.dimension_semantics<subcore_parallel>], iteration_bounds = array<i64: 2, 16>, scalar_prefetch = 0 : i64, scratch_operands = 6 : i64, tpu.core_type = #tpu.core_type<sc_vector_subcore>, window_params = [{transform_indices = #map}, {transform_indices = #map1}, {transform_indices = #map}]} {
    %mul3A = arith.constant 2 : i32
    %mul3A_0 = arith.muli %arg1, %mul3A : i32
    %add3A = arith.addi %mul3A_0, %arg0 : i32
    %mul3A_1 = arith.constant 64 : i32
    %mul3A_2 = arith.muli %add3A, %mul3A_1 : i32
    "tpu.region"() ({
      %run_scoped3A = tpu.sem_alloc : memref<!tpu.dma_semaphore, #tpu.memory_space<semaphore_mem>>
      %dma_start3A_17 = tpu.memref_slice %arg3[%mul3A_2] : memref<2048xi32, #tpu.memory_space<hbm>> -> memref<32xi32, #tpu.memory_space<hbm>>
      %dma_start3A_18 = tpu.memref_slice %arg3[%mul3A_2] : memref<2048xi32, #tpu.memory_space<hbm>> -> memref<32xi32, #tpu.memory_space<hbm>>
      tpu.enqueue_dma source(%dma_start3A_18 : memref<32xi32, #tpu.memory_space<hbm>>) target(%arg5 : memref<32xi32, #tpu.memory_space<vmem>>) target_semaphore(%run_scoped3A : memref<!tpu.dma_semaphore, #tpu.memory_space<semaphore_mem>>)
      %dma_wait3A_19 = tpu.memref_slice %arg3[%mul3A_2] : memref<2048xi32, #tpu.memory_space<hbm>> -> memref<32xi32, #tpu.memory_space<hbm>>
      %dma_wait3A_20 = tpu.memref_slice %arg3[%mul3A_2] : memref<2048xi32, #tpu.memory_space<hbm>> -> memref<32xi32, #tpu.memory_space<hbm>>
      tpu.wait_dma2 semaphore(%run_scoped3A : memref<!tpu.dma_semaphore, #tpu.memory_space<semaphore_mem>>) src(%dma_wait3A_20 : memref<32xi32, #tpu.memory_space<hbm>>) dst(%arg5 : memref<32xi32, #tpu.memory_space<vmem>>)
      tpu.yield
    }) : () -> ()
    %add3A_3 = arith.constant 32 : i32
    %add3A_4 = arith.addi %mul3A_2, %add3A_3 : i32
    "tpu.region"() ({
      %run_scoped3A = tpu.sem_alloc : memref<!tpu.dma_semaphore, #tpu.memory_space<semaphore_mem>>
      %dma_start3A_17 = tpu.memref_slice %arg3[%add3A_4] : memref<2048xi32, #tpu.memory_space<hbm>> -> memref<32xi32, #tpu.memory_space<hbm>>
      %dma_start3A_18 = tpu.memref_slice %arg3[%add3A_4] : memref<2048xi32, #tpu.memory_space<hbm>> -> memref<32xi32, #tpu.memory_space<hbm>>
      tpu.enqueue_dma source(%dma_start3A_18 : memref<32xi32, #tpu.memory_space<hbm>>) target(%arg6 : memref<32xi32, #tpu.memory_space<vmem>>) target_semaphore(%run_scoped3A : memref<!tpu.dma_semaphore, #tpu.memory_space<semaphore_mem>>)
      %dma_wait3A_19 = tpu.memref_slice %arg3[%add3A_4] : memref<2048xi32, #tpu.memory_space<hbm>> -> memref<32xi32, #tpu.memory_space<hbm>>
      %dma_wait3A_20 = tpu.memref_slice %arg3[%add3A_4] : memref<2048xi32, #tpu.memory_space<hbm>> -> memref<32xi32, #tpu.memory_space<hbm>>
      tpu.wait_dma2 semaphore(%run_scoped3A : memref<!tpu.dma_semaphore, #tpu.memory_space<semaphore_mem>>) src(%dma_wait3A_20 : memref<32xi32, #tpu.memory_space<hbm>>) dst(%arg6 : memref<32xi32, #tpu.memory_space<vmem>>)
      tpu.yield
    }) : () -> ()
    %dma_start3A = arith.constant 0 : i32
    %dma_start3A_5 = arith.constant 0 : i32
    %dma_start3A_6 = tpu.memref_slice %arg2[%dma_start3A, %dma_start3A_5] : memref<8192x1024xf32, #tpu.memory_space<hbm>> -> memref<8192x1024xf32, #tpu.memory_space<hbm>>
    tpu.enqueue_indirect_dma source(%dma_start3A_6 : memref<8192x1024xf32, #tpu.memory_space<hbm>>) target(%arg7 : memref<32x1024xf32, #tpu.memory_space<vmem>>) offsets(%arg5 : memref<32xi32, #tpu.memory_space<vmem>>) semaphore(%arg9 : memref<!tpu.dma_semaphore, #tpu.memory_space<semaphore_mem>>)
    %dma_start3A_7 = arith.constant 0 : i32
    %dma_start3A_8 = arith.constant 0 : i32
    %dma_start3A_9 = tpu.memref_slice %arg2[%dma_start3A_7, %dma_start3A_8] : memref<8192x1024xf32, #tpu.memory_space<hbm>> -> memref<8192x1024xf32, #tpu.memory_space<hbm>>
    tpu.enqueue_indirect_dma source(%dma_start3A_9 : memref<8192x1024xf32, #tpu.memory_space<hbm>>) target(%arg8 : memref<32x1024xf32, #tpu.memory_space<vmem>>) offsets(%arg6 : memref<32xi32, #tpu.memory_space<vmem>>) semaphore(%arg10 : memref<!tpu.dma_semaphore, #tpu.memory_space<semaphore_mem>>)
    %dma_wait3A = arith.constant 0 : i32
    %dma_wait3A_10 = arith.constant 0 : i32
    %dma_wait3A_11 = tpu.memref_slice %arg2[%dma_wait3A, %dma_wait3A_10] : memref<8192x1024xf32, #tpu.memory_space<hbm>> -> memref<8192x1024xf32, #tpu.memory_space<hbm>>
    tpu.wait_indirect_dma semaphore(%arg9 : memref<!tpu.dma_semaphore, #tpu.memory_space<semaphore_mem>>) src(%dma_wait3A_11 : memref<8192x1024xf32, #tpu.memory_space<hbm>>) dst(%arg7 : memref<32x1024xf32, #tpu.memory_space<vmem>>)
    "tpu.region"() ({
      %run_scoped3A = tpu.sem_alloc : memref<!tpu.dma_semaphore, #tpu.memory_space<semaphore_mem>>
      %dma_start3A_17 = arith.constant 0 : i32
      %dma_start3A_18 = tpu.memref_slice %arg4[%mul3A_2, %dma_start3A_17] : memref<2048x1024xf32, #tpu.memory_space<hbm>> -> memref<32x1024xf32, #tpu.memory_space<hbm>>
      %dma_start3A_19 = arith.constant 0 : i32
      %dma_start3A_20 = tpu.memref_slice %arg4[%mul3A_2, %dma_start3A_19] : memref<2048x1024xf32, #tpu.memory_space<hbm>> -> memref<32x1024xf32, #tpu.memory_space<hbm>>
      tpu.enqueue_dma source(%arg7 : memref<32x1024xf32, #tpu.memory_space<vmem>>) target(%dma_start3A_20 : memref<32x1024xf32, #tpu.memory_space<hbm>>) target_semaphore(%run_scoped3A : memref<!tpu.dma_semaphore, #tpu.memory_space<semaphore_mem>>)
      %dma_wait3A_21 = arith.constant 0 : i32
      %dma_wait3A_22 = tpu.memref_slice %arg4[%mul3A_2, %dma_wait3A_21] : memref<2048x1024xf32, #tpu.memory_space<hbm>> -> memref<32x1024xf32, #tpu.memory_space<hbm>>
      %dma_wait3A_23 = arith.constant 0 : i32
      %dma_wait3A_24 = tpu.memref_slice %arg4[%mul3A_2, %dma_wait3A_23] : memref<2048x1024xf32, #tpu.memory_space<hbm>> -> memref<32x1024xf32, #tpu.memory_space<hbm>>
      tpu.wait_dma2 semaphore(%run_scoped3A : memref<!tpu.dma_semaphore, #tpu.memory_space<semaphore_mem>>) src(%arg7 : memref<32x1024xf32, #tpu.memory_space<vmem>>) dst(%dma_wait3A_24 : memref<32x1024xf32, #tpu.memory_space<hbm>>)
      tpu.yield
    }) : () -> ()
    %dma_wait3A_12 = arith.constant 0 : i32
    %dma_wait3A_13 = arith.constant 0 : i32
    %dma_wait3A_14 = tpu.memref_slice %arg2[%dma_wait3A_12, %dma_wait3A_13] : memref<8192x1024xf32, #tpu.memory_space<hbm>> -> memref<8192x1024xf32, #tpu.memory_space<hbm>>
    tpu.wait_indirect_dma semaphore(%arg10 : memref<!tpu.dma_semaphore, #tpu.memory_space<semaphore_mem>>) src(%dma_wait3A_14 : memref<8192x1024xf32, #tpu.memory_space<hbm>>) dst(%arg8 : memref<32x1024xf32, #tpu.memory_space<vmem>>)
    %add3A_15 = arith.constant 32 : i32
    %add3A_16 = arith.addi %mul3A_2, %add3A_15 : i32
    "tpu.region"() ({
      %run_scoped3A = tpu.sem_alloc : memref<!tpu.dma_semaphore, #tpu.memory_space<semaphore_mem>>
      %dma_start3A_17 = arith.constant 0 : i32
      %dma_start3A_18 = tpu.memref_slice %arg4[%add3A_16, %dma_start3A_17] : memref<2048x1024xf32, #tpu.memory_space<hbm>> -> memref<32x1024xf32, #tpu.memory_space<hbm>>
      %dma_start3A_19 = arith.constant 0 : i32
      %dma_start3A_20 = tpu.memref_slice %arg4[%add3A_16, %dma_start3A_19] : memref<2048x1024xf32, #tpu.memory_space<hbm>> -> memref<32x1024xf32, #tpu.memory_space<hbm>>
      tpu.enqueue_dma source(%arg8 : memref<32x1024xf32, #tpu.memory_space<vmem>>) target(%dma_start3A_20 : memref<32x1024xf32, #tpu.memory_space<hbm>>) target_semaphore(%run_scoped3A : memref<!tpu.dma_semaphore, #tpu.memory_space<semaphore_mem>>)
      %dma_wait3A_21 = arith.constant 0 : i32
      %dma_wait3A_22 = tpu.memref_slice %arg4[%add3A_16, %dma_wait3A_21] : memref<2048x1024xf32, #tpu.memory_space<hbm>> -> memref<32x1024xf32, #tpu.memory_space<hbm>>
      %dma_wait3A_23 = arith.constant 0 : i32
      %dma_wait3A_24 = tpu.memref_slice %arg4[%add3A_16, %dma_wait3A_23] : memref<2048x1024xf32, #tpu.memory_space<hbm>> -> memref<32x1024xf32, #tpu.memory_space<hbm>>
      tpu.wait_dma2 semaphore(%run_scoped3A : memref<!tpu.dma_semaphore, #tpu.memory_space<semaphore_mem>>) src(%arg8 : memref<32x1024xf32, #tpu.memory_space<vmem>>) dst(%dma_wait3A_24 : memref<32x1024xf32, #tpu.memory_space<hbm>>)
      tpu.yield
    }) : () -> ()
    return
  }
}

module attributes {stable_mosaic.version = 14 : i64} {
  func.func @body(%arg0: i32, %arg1: i32, %arg2: memref<512x1024xf32, #tpu.memory_space<vmem>>, %arg3: memref<1x1x512xi32, #tpu.memory_space<vmem>>, %arg4: memref<2048x1024xf32, #tpu.memory_space<vmem>>, %arg5: memref<1x2048xf32, #tpu.memory_space<vmem>>, %arg6: memref<512x2048xf32, #tpu.memory_space<vmem>>) attributes {dimension_semantics = [#tpu.dimension_semantics<arbitrary>, #tpu.dimension_semantics<arbitrary>], iteration_bounds = array<i64: 2, 4>, scalar_prefetch = 0 : i64, scratch_operands = 0 : i64, tpu.core_type = #tpu.core_type<tc>, window_params = [{transform_indices = @transform_0, window_bounds = array<i64: 512, 1024>}, {transform_indices = @transform_1, window_bounds = array<i64: 1, 1, 512>}, {transform_indices = @transform_2, window_bounds = array<i64: 2048, 1024>}, {transform_indices = @transform_3, window_bounds = array<i64: 1, 2048>}, {transform_indices = @transform_4, window_bounds = array<i64: 512, 2048>}]} {
    %get3A = arith.constant 0 : index
    %get3A_0 = arith.constant 0 : index
    %get3A_1 = arith.constant 0 : index
    %get3A_2 = vector.load %arg3[%get3A, %get3A_0, %get3A_1] : memref<1x1x512xi32, #tpu.memory_space<vmem>>, vector<1x1x512xi32>
    %get3A_3 = vector.shape_cast %get3A_2 : vector<1x1x512xi32> to vector<512xi32>
    %ne3A = arith.constant 0 : i32
    %ne3A_4 = vector.broadcast %ne3A : i32 to vector<512xi32>
    %ne3A_5 = arith.cmpi ne, %get3A_3, %ne3A_4 : vector<512xi32>
    %convert_element_type3A = arith.extui %ne3A_5 : vector<512xi1> to vector<512xi32>
    %convert_element_type3A_6 = arith.sitofp %convert_element_type3A : vector<512xi32> to vector<512xf32>
    %get3A_7 = arith.constant 0 : index
    %get3A_8 = arith.constant 0 : index
    %get3A_9 = vector.load %arg2[%get3A_7, %get3A_8] : memref<512x1024xf32, #tpu.memory_space<vmem>>, vector<512x1024xf32>
    %broadcast_in_dim3A = vector.shape_cast %convert_element_type3A_6 : vector<512xf32> to vector<512x1xf32>
    %mul3A = vector.broadcast %broadcast_in_dim3A : vector<512x1xf32> to vector<512x1024xf32>
    %mul3A_10 = arith.mulf %get3A_9, %mul3A : vector<512x1024xf32>
    %get3A_11 = arith.constant 0 : index
    %get3A_12 = arith.constant 0 : index
    %get3A_13 = vector.load %arg4[%get3A_11, %get3A_12] : memref<2048x1024xf32, #tpu.memory_space<vmem>>, vector<2048x1024xf32>
    %dot_general3A = arith.constant dense<0.000000e+00> : vector<512x2048xf32>
    %dot_general3A_14 = tpu.matmul %mul3A_10, %get3A_13, %dot_general3A {dimension_numbers = #tpu.dot_dimension_numbers<[1], [1], [0], [0], [0, 0, 1, 0], [], []>, transpose_lhs_hint = false} : vector<512x1024xf32>, vector<2048x1024xf32>, vector<512x2048xf32> -> vector<512x2048xf32>
    %get3A_15 = arith.constant 0 : index
    %get3A_16 = arith.constant 0 : index
    %get3A_17 = vector.load %arg5[%get3A_15, %get3A_16] : memref<1x2048xf32, #tpu.memory_space<vmem>>, vector<1x2048xf32>
    %add3A = vector.broadcast %get3A_17 : vector<1x2048xf32> to vector<512x2048xf32>
    %add3A_18 = arith.addf %dot_general3A_14, %add3A : vector<512x2048xf32>
    %swap3A = arith.constant 0 : index
    %swap3A_19 = arith.constant 0 : index
    %swap3A_20 = vector.load %arg6[%swap3A, %swap3A_19] : memref<512x2048xf32, #tpu.memory_space<vmem>>, vector<512x2048xf32>
    tpu.vector_store %arg6[%swap3A, %swap3A_19], %add3A_18 {strides = array<i32>} : memref<512x2048xf32, #tpu.memory_space<vmem>>, vector<512x2048xf32>,
    return
  }
  func.func @transform_0(%arg0: i32, %arg1: i32) -> (i32, i32) {
    %c0_i32 = arith.constant 0 : i32
    %c0_i32_0 = arith.constant 0 : i32
    return %arg1, %c0_i32 : i32, i32
  }
  func.func @transform_1(%arg0: i32, %arg1: i32) -> (i32, i32, i32) {
    %c0_i32 = arith.constant 0 : i32
    %c0_i32_0 = arith.constant 0 : i32
    %c0_i32_1 = arith.constant 0 : i32
    return %arg1, %c0_i32, %c0_i32_0 : i32, i32, i32
  }
  func.func @transform_2(%arg0: i32, %arg1: i32) -> (i32, i32) {
    %c0_i32 = arith.constant 0 : i32
    %c0_i32_0 = arith.constant 0 : i32
    return %arg0, %c0_i32 : i32, i32
  }
  func.func @transform_3(%arg0: i32, %arg1: i32) -> (i32, i32) {
    %c0_i32 = arith.constant 0 : i32
    %c0_i32_0 = arith.constant 0 : i32
    return %c0_i32, %arg0 : i32, i32
  }
  func.func @transform_4(%arg0: i32, %arg1: i32) -> (i32, i32) {
    %c0_i32 = arith.constant 0 : i32
    return %arg1, %arg0 : i32, i32
  }
}

module attributes {stable_mosaic.version = 14 : i64} {
  func.func @body(%arg0: i32, %arg1: memref<1x64x4096xf32, #tpu.memory_space<vmem>>, %arg2: memref<4096x1024xf32, #tpu.memory_space<vmem>>, %arg3: memref<64x1024xf32, #tpu.memory_space<vmem>>, %arg4: memref<64x1024xf32, #tpu.memory_space<vmem>>, %arg5: memref<64x1024xf32, #tpu.memory_space<vmem>>, %arg6: memref<64x1024xf32, #tpu.memory_space<vmem>>) attributes {dimension_semantics = [#tpu.dimension_semantics<arbitrary>], iteration_bounds = array<i64: 32>, scalar_prefetch = 0 : i64, scratch_operands = 2 : i64, tpu.core_type = #tpu.core_type<tc>, window_params = [{transform_indices = @transform_0, window_bounds = array<i64: 1, 64, 4096>}, {pipeline_mode = #tpu.pipeline_mode<synchronous>, transform_indices = @transform_1, window_bounds = array<i64: 4096, 1024>}, {pipeline_mode = #tpu.pipeline_mode<synchronous>, transform_indices = @transform_2, window_bounds = array<i64: 64, 1024>}, {pipeline_mode = #tpu.pipeline_mode<synchronous>, transform_indices = @transform_3, window_bounds = array<i64: 64, 1024>}]} {
    %eq3A = arith.constant 0 : i32
    %eq3A_0 = arith.cmpi eq, %arg0, %eq3A : i32
    %convert_element_type3A = arith.extui %eq3A_0 : i1 to i32
    %cond3A = arith.constant 0 : i32
    %cond3A_1 = arith.cmpi ne, %convert_element_type3A, %cond3A : i32
    scf.if %cond3A_1 {
      %broadcast_in_dim3A = arith.constant 0.000000e+00 : f32
      %broadcast_in_dim3A_50 = vector.broadcast %broadcast_in_dim3A : f32 to vector<64x1024xf32>
      %swap3A_51 = arith.constant 0 : index
      %swap3A_52 = arith.constant 0 : index
      %swap3A_53 = vector.load %arg5[%swap3A_51, %swap3A_52] : memref<64x1024xf32, #tpu.memory_space<vmem>>, vector<64x1024xf32>
      tpu.vector_store %arg5[%swap3A_51, %swap3A_52], %broadcast_in_dim3A_50 {strides = array<i32>} : memref<64x1024xf32, #tpu.memory_space<vmem>>, vector<64x1024xf32>,
      %broadcast_in_dim3A_54 = arith.constant 0.000000e+00 : f32
      %broadcast_in_dim3A_55 = vector.broadcast %broadcast_in_dim3A_54 : f32 to vector<64x1024xf32>
      %swap3A_56 = arith.constant 0 : index
      %swap3A_57 = arith.constant 0 : index
      %swap3A_58 = vector.load %arg6[%swap3A_56, %swap3A_57] : memref<64x1024xf32, #tpu.memory_space<vmem>>, vector<64x1024xf32>
      tpu.vector_store %arg6[%swap3A_56, %swap3A_57], %broadcast_in_dim3A_55 {strides = array<i32>} : memref<64x1024xf32, #tpu.memory_space<vmem>>, vector<64x1024xf32>,
    } else {
    }
    %get3A = arith.constant 0 : index
    %get3A_2 = arith.constant 0 : index
    %get3A_3 = vector.load %arg5[%get3A, %get3A_2] : memref<64x1024xf32, #tpu.memory_space<vmem>>, vector<64x1024xf32>
    %get3A_4 = arith.constant 0 : index
    %get3A_5 = arith.constant 0 : index
    %get3A_6 = vector.load %arg6[%get3A_4, %get3A_5] : memref<64x1024xf32, #tpu.memory_space<vmem>>, vector<64x1024xf32>
    %get3A_7 = arith.constant 0 : index
    %get3A_8 = arith.constant 0 : index
    %get3A_9 = arith.constant 0 : index
    %get3A_10 = vector.load %arg1[%get3A_7, %get3A_8, %get3A_9] : memref<1x64x4096xf32, #tpu.memory_space<vmem>>, vector<1x64x4096xf32>
    %get3A_11 = vector.shape_cast %get3A_10 : vector<1x64x4096xf32> to vector<64x4096xf32>
    %get3A_12 = arith.constant 0 : index
    %get3A_13 = arith.constant 0 : index
    %get3A_14 = vector.load %arg2[%get3A_12, %get3A_13] : memref<4096x1024xf32, #tpu.memory_space<vmem>>, vector<4096x1024xf32>
    %dot_general3A = arith.constant dense<0.000000e+00> : vector<64x4096xf32>
    %dot_general3A_15 = tpu.matmul %get3A_3, %get3A_14, %dot_general3A {dimension_numbers = #tpu.dot_dimension_numbers<[1], [1], [0], [0], [0, 0, 1, 0], [], []>, transpose_lhs_hint = false} : vector<64x1024xf32>, vector<4096x1024xf32>, vector<64x4096xf32> -> vector<64x4096xf32>
    %add3A = arith.addf %get3A_11, %dot_general3A_15 : vector<64x4096xf32>
    %slice3A = vector.extract_strided_slice %add3A {offsets = [0, 0], sizes = [64, 1024], strides = [1, 1]} : vector<64x4096xf32> to vector<64x1024xf32>
    %logistic3A = arith.negf %slice3A : vector<64x1024xf32>
    %logistic3A_16 = math.exp %logistic3A : vector<64x1024xf32>
    %logistic3A_17 = arith.constant 1.000000e+00 : f32
    %logistic3A_18 = vector.broadcast %logistic3A_17 : f32 to vector<64x1024xf32>
    %logistic3A_19 = arith.addf %logistic3A_18, %logistic3A_16 : vector<64x1024xf32>
    %logistic3A_20 = arith.divf %logistic3A_18, %logistic3A_19 : vector<64x1024xf32>
    %slice3A_21 = vector.extract_strided_slice %add3A {offsets = [0, 1024], sizes = [64, 1024], strides = [1, 1]} : vector<64x4096xf32> to vector<64x1024xf32>
    %logistic3A_22 = arith.negf %slice3A_21 : vector<64x1024xf32>
    %logistic3A_23 = math.exp %logistic3A_22 : vector<64x1024xf32>
    %logistic3A_24 = arith.constant 1.000000e+00 : f32
    %logistic3A_25 = vector.broadcast %logistic3A_24 : f32 to vector<64x1024xf32>
    %logistic3A_26 = arith.addf %logistic3A_25, %logistic3A_23 : vector<64x1024xf32>
    %logistic3A_27 = arith.divf %logistic3A_25, %logistic3A_26 : vector<64x1024xf32>
    %slice3A_28 = vector.extract_strided_slice %add3A {offsets = [0, 2048], sizes = [64, 1024], strides = [1, 1]} : vector<64x4096xf32> to vector<64x1024xf32>
    %tanh3A = math.tanh %slice3A_28 : vector<64x1024xf32>
    %slice3A_29 = vector.extract_strided_slice %add3A {offsets = [0, 3072], sizes = [64, 1024], strides = [1, 1]} : vector<64x4096xf32> to vector<64x1024xf32>
    %logistic3A_30 = arith.negf %slice3A_29 : vector<64x1024xf32>
    %logistic3A_31 = math.exp %logistic3A_30 : vector<64x1024xf32>
    %logistic3A_32 = arith.constant 1.000000e+00 : f32
    %logistic3A_33 = vector.broadcast %logistic3A_32 : f32 to vector<64x1024xf32>
    %logistic3A_34 = arith.addf %logistic3A_33, %logistic3A_31 : vector<64x1024xf32>
    %logistic3A_35 = arith.divf %logistic3A_33, %logistic3A_34 : vector<64x1024xf32>
    %mul3A = arith.mulf %logistic3A_27, %get3A_6 : vector<64x1024xf32>
    %mul3A_36 = arith.mulf %logistic3A_20, %tanh3A : vector<64x1024xf32>
    %add3A_37 = arith.addf %mul3A, %mul3A_36 : vector<64x1024xf32>
    %tanh3A_38 = math.tanh %add3A_37 : vector<64x1024xf32>
    %mul3A_39 = arith.mulf %logistic3A_35, %tanh3A_38 : vector<64x1024xf32>
    %swap3A = arith.constant 0 : index
    %swap3A_40 = arith.constant 0 : index
    %swap3A_41 = vector.load %arg5[%swap3A, %swap3A_40] : memref<64x1024xf32, #tpu.memory_space<vmem>>, vector<64x1024xf32>
    tpu.vector_store %arg5[%swap3A, %swap3A_40], %mul3A_39 {strides = array<i32>} : memref<64x1024xf32, #tpu.memory_space<vmem>>, vector<64x1024xf32>,
    %swap3A_42 = arith.constant 0 : index
    %swap3A_43 = arith.constant 0 : index
    %swap3A_44 = vector.load %arg6[%swap3A_42, %swap3A_43] : memref<64x1024xf32, #tpu.memory_space<vmem>>, vector<64x1024xf32>
    tpu.vector_store %arg6[%swap3A_42, %swap3A_43], %add3A_37 {strides = array<i32>} : memref<64x1024xf32, #tpu.memory_space<vmem>>, vector<64x1024xf32>,
    %eq3A_45 = arith.constant 31 : i32
    %eq3A_46 = arith.cmpi eq, %arg0, %eq3A_45 : i32
    %convert_element_type3A_47 = arith.extui %eq3A_46 : i1 to i32
    %cond3A_48 = arith.constant 0 : i32
    %cond3A_49 = arith.cmpi ne, %convert_element_type3A_47, %cond3A_48 : i32
    scf.if %cond3A_49 {
      %swap3A_50 = arith.constant 0 : index
      %swap3A_51 = arith.constant 0 : index
      %swap3A_52 = vector.load %arg3[%swap3A_50, %swap3A_51] : memref<64x1024xf32, #tpu.memory_space<vmem>>, vector<64x1024xf32>
      tpu.vector_store %arg3[%swap3A_50, %swap3A_51], %mul3A_39 {strides = array<i32>} : memref<64x1024xf32, #tpu.memory_space<vmem>>, vector<64x1024xf32>,
      %swap3A_53 = arith.constant 0 : index
      %swap3A_54 = arith.constant 0 : index
      %swap3A_55 = vector.load %arg4[%swap3A_53, %swap3A_54] : memref<64x1024xf32, #tpu.memory_space<vmem>>, vector<64x1024xf32>
      tpu.vector_store %arg4[%swap3A_53, %swap3A_54], %add3A_37 {strides = array<i32>} : memref<64x1024xf32, #tpu.memory_space<vmem>>, vector<64x1024xf32>,
    } else {
    }
    return
  }
  func.func @transform_0(%arg0: i32) -> (i32, i32, i32) {
    %c0_i32 = arith.constant 0 : i32
    %c0_i32_0 = arith.constant 0 : i32
    %c0_i32_1 = arith.constant 0 : i32
    return %arg0, %c0_i32, %c0_i32_0 : i32, i32, i32
  }
  func.func @transform_1(%arg0: i32) -> (i32, i32) {
    %c0_i32 = arith.constant 0 : i32
    %c0_i32_0 = arith.constant 0 : i32
    %c0_i32_1 = arith.constant 0 : i32
    return %c0_i32, %c0_i32_0 : i32, i32
  }
  func.func @transform_2(%arg0: i32) -> (i32, i32) {
    %c0_i32 = arith.constant 0 : i32
    %c0_i32_0 = arith.constant 0 : i32
    %c0_i32_1 = arith.constant 0 : i32
    return %c0_i32, %c0_i32_0 : i32, i32
  }
  func.func @transform_3(%arg0: i32) -> (i32, i32) {
    %c0_i32 = arith.constant 0 : i32
    %c0_i32_0 = arith.constant 0 : i32
    %c0_i32_1 = arith.constant 0 : i32
    return %c0_i32, %c0_i32_0 : i32, i32
  }
}

module attributes {stable_mosaic.version = 14 : i64} {
  func.func @body(%arg0: i32, %arg1: memref<1x64x4096xf32, #tpu.memory_space<vmem>>, %arg2: memref<4096x1024xf32, #tpu.memory_space<vmem>>, %arg3: memref<64x1024xf32, #tpu.memory_space<vmem>>, %arg4: memref<64x1024xf32, #tpu.memory_space<vmem>>, %arg5: memref<1024x1024xf32, #tpu.memory_space<vmem>>, %arg6: memref<1024x1024xf32, #tpu.memory_space<vmem>>, %arg7: memref<1x1024xf32, #tpu.memory_space<vmem>>, %arg8: memref<64x1x1x1024xf32, #tpu.memory_space<vmem>>, %arg9: memref<64x1024xf32, #tpu.memory_space<vmem>>, %arg10: memref<64x1024xf32, #tpu.memory_space<vmem>>, %arg11: memref<64x1024xf32, #tpu.memory_space<vmem>>) attributes {dimension_semantics = [#tpu.dimension_semantics<arbitrary>], iteration_bounds = array<i64: 32>, scalar_prefetch = 0 : i64, scratch_operands = 3 : i64, tpu.core_type = #tpu.core_type<tc>, window_params = [{transform_indices = @transform_0, window_bounds = array<i64: 1, 64, 4096>}, {pipeline_mode = #tpu.pipeline_mode<synchronous>, transform_indices = @transform_1, window_bounds = array<i64: 4096, 1024>}, {pipeline_mode = #tpu.pipeline_mode<synchronous>, transform_indices = @transform_2, window_bounds = array<i64: 64, 1024>}, {pipeline_mode = #tpu.pipeline_mode<synchronous>, transform_indices = @transform_3, window_bounds = array<i64: 64, 1024>}, {pipeline_mode = #tpu.pipeline_mode<synchronous>, transform_indices = @transform_4, window_bounds = array<i64: 1024, 1024>}, {pipeline_mode = #tpu.pipeline_mode<synchronous>, transform_indices = @transform_5, window_bounds = array<i64: 1024, 1024>}, {pipeline_mode = #tpu.pipeline_mode<synchronous>, transform_indices = @transform_6, window_bounds = array<i64: 1, 1024>}, {transform_indices = @transform_7, window_bounds = array<i64: 64, 1, 1, 1024>}]} {
    %eq3A = arith.constant 0 : i32
    %eq3A_0 = arith.cmpi eq, %arg0, %eq3A : i32
    %convert_element_type3A = arith.extui %eq3A_0 : i1 to i32
    %cond3A = arith.constant 0 : i32
    %cond3A_1 = arith.cmpi ne, %convert_element_type3A, %cond3A : i32
    scf.if %cond3A_1 {
      %get3A_62 = arith.constant 0 : index
      %get3A_63 = arith.constant 0 : index
      %get3A_64 = vector.load %arg3[%get3A_62, %get3A_63] : memref<64x1024xf32, #tpu.memory_space<vmem>>, vector<64x1024xf32>
      %swap3A_65 = arith.constant 0 : index
      %swap3A_66 = arith.constant 0 : index
      %swap3A_67 = vector.load %arg9[%swap3A_65, %swap3A_66] : memref<64x1024xf32, #tpu.memory_space<vmem>>, vector<64x1024xf32>
      tpu.vector_store %arg9[%swap3A_65, %swap3A_66], %get3A_64 {strides = array<i32>} : memref<64x1024xf32, #tpu.memory_space<vmem>>, vector<64x1024xf32>,
      %get3A_68 = arith.constant 0 : index
      %get3A_69 = arith.constant 0 : index
      %get3A_70 = vector.load %arg4[%get3A_68, %get3A_69] : memref<64x1024xf32, #tpu.memory_space<vmem>>, vector<64x1024xf32>
      %swap3A_71 = arith.constant 0 : index
      %swap3A_72 = arith.constant 0 : index
      %swap3A_73 = vector.load %arg10[%swap3A_71, %swap3A_72] : memref<64x1024xf32, #tpu.memory_space<vmem>>, vector<64x1024xf32>
      tpu.vector_store %arg10[%swap3A_71, %swap3A_72], %get3A_70 {strides = array<i32>} : memref<64x1024xf32, #tpu.memory_space<vmem>>, vector<64x1024xf32>,
      %get3A_74 = arith.constant 0 : index
      %get3A_75 = arith.constant 0 : index
      %get3A_76 = vector.load %arg3[%get3A_74, %get3A_75] : memref<64x1024xf32, #tpu.memory_space<vmem>>, vector<64x1024xf32>
      %get3A_77 = arith.constant 0 : index
      %get3A_78 = arith.constant 0 : index
      %get3A_79 = vector.load %arg6[%get3A_77, %get3A_78] : memref<1024x1024xf32, #tpu.memory_space<vmem>>, vector<1024x1024xf32>
      %dot_general3A_80 = arith.constant dense<0.000000e+00> : vector<64x1024xf32>
      %dot_general3A_81 = tpu.matmul %get3A_76, %get3A_79, %dot_general3A_80 {dimension_numbers = #tpu.dot_dimension_numbers<[1], [1], [0], [0], [0, 0, 1, 0], [], []>, transpose_lhs_hint = false} : vector<64x1024xf32>, vector<1024x1024xf32>, vector<64x1024xf32> -> vector<64x1024xf32>
      %get3A_82 = arith.constant 0 : index
      %get3A_83 = arith.constant 0 : index
      %get3A_84 = vector.load %arg7[%get3A_82, %get3A_83] : memref<1x1024xf32, #tpu.memory_space<vmem>>, vector<1x1024xf32>
      %add3A_85 = vector.broadcast %get3A_84 : vector<1x1024xf32> to vector<64x1024xf32>
      %add3A_86 = arith.addf %dot_general3A_81, %add3A_85 : vector<64x1024xf32>
      %swap3A_87 = arith.constant 0 : index
      %swap3A_88 = arith.constant 0 : index
      %swap3A_89 = vector.load %arg11[%swap3A_87, %swap3A_88] : memref<64x1024xf32, #tpu.memory_space<vmem>>, vector<64x1024xf32>
      tpu.vector_store %arg11[%swap3A_87, %swap3A_88], %add3A_86 {strides = array<i32>} : memref<64x1024xf32, #tpu.memory_space<vmem>>, vector<64x1024xf32>,
    } else {
    }
    %get3A = arith.constant 0 : index
    %get3A_2 = arith.constant 0 : index
    %get3A_3 = vector.load %arg9[%get3A, %get3A_2] : memref<64x1024xf32, #tpu.memory_space<vmem>>, vector<64x1024xf32>
    %get3A_4 = arith.constant 0 : index
    %get3A_5 = arith.constant 0 : index
    %get3A_6 = vector.load %arg10[%get3A_4, %get3A_5] : memref<64x1024xf32, #tpu.memory_space<vmem>>, vector<64x1024xf32>
    %get3A_7 = arith.constant 0 : index
    %get3A_8 = arith.constant 0 : index
    %get3A_9 = arith.constant 0 : index
    %get3A_10 = vector.load %arg1[%get3A_7, %get3A_8, %get3A_9] : memref<1x64x4096xf32, #tpu.memory_space<vmem>>, vector<1x64x4096xf32>
    %get3A_11 = vector.shape_cast %get3A_10 : vector<1x64x4096xf32> to vector<64x4096xf32>
    %get3A_12 = arith.constant 0 : index
    %get3A_13 = arith.constant 0 : index
    %get3A_14 = vector.load %arg2[%get3A_12, %get3A_13] : memref<4096x1024xf32, #tpu.memory_space<vmem>>, vector<4096x1024xf32>
    %dot_general3A = arith.constant dense<0.000000e+00> : vector<64x4096xf32>
    %dot_general3A_15 = tpu.matmul %get3A_3, %get3A_14, %dot_general3A {dimension_numbers = #tpu.dot_dimension_numbers<[1], [1], [0], [0], [0, 0, 1, 0], [], []>, transpose_lhs_hint = false} : vector<64x1024xf32>, vector<4096x1024xf32>, vector<64x4096xf32> -> vector<64x4096xf32>
    %add3A = arith.addf %get3A_11, %dot_general3A_15 : vector<64x4096xf32>
    %slice3A = vector.extract_strided_slice %add3A {offsets = [0, 0], sizes = [64, 1024], strides = [1, 1]} : vector<64x4096xf32> to vector<64x1024xf32>
    %logistic3A = arith.negf %slice3A : vector<64x1024xf32>
    %logistic3A_16 = math.exp %logistic3A : vector<64x1024xf32>
    %logistic3A_17 = arith.constant 1.000000e+00 : f32
    %logistic3A_18 = vector.broadcast %logistic3A_17 : f32 to vector<64x1024xf32>
    %logistic3A_19 = arith.addf %logistic3A_18, %logistic3A_16 : vector<64x1024xf32>
    %logistic3A_20 = arith.divf %logistic3A_18, %logistic3A_19 : vector<64x1024xf32>
    %slice3A_21 = vector.extract_strided_slice %add3A {offsets = [0, 1024], sizes = [64, 1024], strides = [1, 1]} : vector<64x4096xf32> to vector<64x1024xf32>
    %logistic3A_22 = arith.negf %slice3A_21 : vector<64x1024xf32>
    %logistic3A_23 = math.exp %logistic3A_22 : vector<64x1024xf32>
    %logistic3A_24 = arith.constant 1.000000e+00 : f32
    %logistic3A_25 = vector.broadcast %logistic3A_24 : f32 to vector<64x1024xf32>
    %logistic3A_26 = arith.addf %logistic3A_25, %logistic3A_23 : vector<64x1024xf32>
    %logistic3A_27 = arith.divf %logistic3A_25, %logistic3A_26 : vector<64x1024xf32>
    %slice3A_28 = vector.extract_strided_slice %add3A {offsets = [0, 2048], sizes = [64, 1024], strides = [1, 1]} : vector<64x4096xf32> to vector<64x1024xf32>
    %tanh3A = math.tanh %slice3A_28 : vector<64x1024xf32>
    %slice3A_29 = vector.extract_strided_slice %add3A {offsets = [0, 3072], sizes = [64, 1024], strides = [1, 1]} : vector<64x4096xf32> to vector<64x1024xf32>
    %logistic3A_30 = arith.negf %slice3A_29 : vector<64x1024xf32>
    %logistic3A_31 = math.exp %logistic3A_30 : vector<64x1024xf32>
    %logistic3A_32 = arith.constant 1.000000e+00 : f32
    %logistic3A_33 = vector.broadcast %logistic3A_32 : f32 to vector<64x1024xf32>
    %logistic3A_34 = arith.addf %logistic3A_33, %logistic3A_31 : vector<64x1024xf32>
    %logistic3A_35 = arith.divf %logistic3A_33, %logistic3A_34 : vector<64x1024xf32>
    %mul3A = arith.mulf %logistic3A_27, %get3A_6 : vector<64x1024xf32>
    %mul3A_36 = arith.mulf %logistic3A_20, %tanh3A : vector<64x1024xf32>
    %add3A_37 = arith.addf %mul3A, %mul3A_36 : vector<64x1024xf32>
    %tanh3A_38 = math.tanh %add3A_37 : vector<64x1024xf32>
    %mul3A_39 = arith.mulf %logistic3A_35, %tanh3A_38 : vector<64x1024xf32>
    %swap3A = arith.constant 0 : index
    %swap3A_40 = arith.constant 0 : index
    %swap3A_41 = vector.load %arg9[%swap3A, %swap3A_40] : memref<64x1024xf32, #tpu.memory_space<vmem>>, vector<64x1024xf32>
    tpu.vector_store %arg9[%swap3A, %swap3A_40], %mul3A_39 {strides = array<i32>} : memref<64x1024xf32, #tpu.memory_space<vmem>>, vector<64x1024xf32>,
    %swap3A_42 = arith.constant 0 : index
    %swap3A_43 = arith.constant 0 : index
    %swap3A_44 = vector.load %arg10[%swap3A_42, %swap3A_43] : memref<64x1024xf32, #tpu.memory_space<vmem>>, vector<64x1024xf32>
    tpu.vector_store %arg10[%swap3A_42, %swap3A_43], %add3A_37 {strides = array<i32>} : memref<64x1024xf32, #tpu.memory_space<vmem>>, vector<64x1024xf32>,
    %get3A_45 = arith.constant 0 : index
    %get3A_46 = arith.constant 0 : index
    %get3A_47 = vector.load %arg5[%get3A_45, %get3A_46] : memref<1024x1024xf32, #tpu.memory_space<vmem>>, vector<1024x1024xf32>
    %dot_general3A_48 = arith.constant dense<0.000000e+00> : vector<64x1024xf32>
    %dot_general3A_49 = tpu.matmul %mul3A_39, %get3A_47, %dot_general3A_48 {dimension_numbers = #tpu.dot_dimension_numbers<[1], [1], [0], [0], [0, 0, 1, 0], [], []>, transpose_lhs_hint = false} : vector<64x1024xf32>, vector<1024x1024xf32>, vector<64x1024xf32> -> vector<64x1024xf32>
    %get3A_50 = arith.constant 0 : index
    %get3A_51 = arith.constant 0 : index
    %get3A_52 = vector.load %arg11[%get3A_50, %get3A_51] : memref<64x1024xf32, #tpu.memory_space<vmem>>, vector<64x1024xf32>
    %add3A_53 = arith.addf %dot_general3A_49, %get3A_52 : vector<64x1024xf32>
    %tanh3A_54 = math.tanh %add3A_53 : vector<64x1024xf32>
    %swap3A_55 = arith.constant 0 : index
    %swap3A_56 = arith.constant 0 : index
    %swap3A_57 = arith.constant 0 : index
    %swap3A_58 = arith.constant 0 : index
    %swap3A_59 = vector.load %arg8[%swap3A_55, %swap3A_56, %swap3A_57, %swap3A_58] : memref<64x1x1x1024xf32, #tpu.memory_space<vmem>>, vector<64x1x1x1024xf32>
    %swap3A_60 = vector.shape_cast %swap3A_59 : vector<64x1x1x1024xf32> to vector<64x1024xf32>
    %swap3A_61 = vector.shape_cast %tanh3A_54 : vector<64x1024xf32> to vector<64x1x1x1024xf32>
    tpu.vector_store %arg8[%swap3A_55, %swap3A_56, %swap3A_57, %swap3A_58], %swap3A_61 {strides = array<i32>} : memref<64x1x1x1024xf32, #tpu.memory_space<vmem>>, vector<64x1x1x1024xf32>,
    return
  }
  func.func @transform_0(%arg0: i32) -> (i32, i32, i32) {
    %c0_i32 = arith.constant 0 : i32
    %c0_i32_0 = arith.constant 0 : i32
    %c0_i32_1 = arith.constant 0 : i32
    return %arg0, %c0_i32, %c0_i32_0 : i32, i32, i32
  }
  func.func @transform_1(%arg0: i32) -> (i32, i32) {
    %c0_i32 = arith.constant 0 : i32
    %c0_i32_0 = arith.constant 0 : i32
    %c0_i32_1 = arith.constant 0 : i32
    return %c0_i32, %c0_i32_0 : i32, i32
  }
  func.func @transform_2(%arg0: i32) -> (i32, i32) {
    %c0_i32 = arith.constant 0 : i32
    %c0_i32_0 = arith.constant 0 : i32
    %c0_i32_1 = arith.constant 0 : i32
    return %c0_i32, %c0_i32_0 : i32, i32
  }
  func.func @transform_3(%arg0: i32) -> (i32, i32) {
    %c0_i32 = arith.constant 0 : i32
    %c0_i32_0 = arith.constant 0 : i32
    %c0_i32_1 = arith.constant 0 : i32
    return %c0_i32, %c0_i32_0 : i32, i32
  }
  func.func @transform_4(%arg0: i32) -> (i32, i32) {
    %c0_i32 = arith.constant 0 : i32
    %c0_i32_0 = arith.constant 0 : i32
    %c0_i32_1 = arith.constant 0 : i32
    return %c0_i32, %c0_i32_0 : i32, i32
  }
  func.func @transform_5(%arg0: i32) -> (i32, i32) {
    %c0_i32 = arith.constant 0 : i32
    %c0_i32_0 = arith.constant 0 : i32
    %c0_i32_1 = arith.constant 0 : i32
    return %c0_i32, %c0_i32_0 : i32, i32
  }
  func.func @transform_6(%arg0: i32) -> (i32, i32) {
    %c0_i32 = arith.constant 0 : i32
    %c0_i32_0 = arith.constant 0 : i32
    %c0_i32_1 = arith.constant 0 : i32
    return %c0_i32, %c0_i32_0 : i32, i32
  }
  func.func @transform_7(%arg0: i32) -> (i32, i32, i32, i32) {
    %c0_i32 = arith.constant 0 : i32
    %c0_i32_0 = arith.constant 0 : i32
    %c0_i32_1 = arith.constant 0 : i32
    %c0_i32_2 = arith.constant 0 : i32
    return %c0_i32, %arg0, %c0_i32_0, %c0_i32_1 : i32, i32, i32, i32
  }
}

module attributes {stable_mosaic.version = 14 : i64} {
  func.func @body(%arg0: i32, %arg1: memref<2048x1024xf32, #tpu.memory_space<vmem>>, %arg2: memref<1024x1024xf32, #tpu.memory_space<vmem>>, %arg3: memref<1x1024xf32, #tpu.memory_space<vmem>>, %arg4: memref<2048x1024xf32, #tpu.memory_space<vmem>>) attributes {dimension_semantics = [#tpu.dimension_semantics<arbitrary>], iteration_bounds = array<i64: 8>, scalar_prefetch = 0 : i64, scratch_operands = 0 : i64, tpu.core_type = #tpu.core_type<tc>, window_params = [{pipeline_mode = #tpu.pipeline_mode<synchronous>, transform_indices = @transform_0, window_bounds = array<i64: 2048, 1024>}, {transform_indices = @transform_1, window_bounds = array<i64: 1024, 1024>}, {transform_indices = @transform_2, window_bounds = array<i64: 1, 1024>}, {transform_indices = @transform_3, window_bounds = array<i64: 2048, 1024>}]} {
    %get3A = arith.constant 0 : index
    %get3A_0 = arith.constant 0 : index
    %get3A_1 = vector.load %arg1[%get3A, %get3A_0] : memref<2048x1024xf32, #tpu.memory_space<vmem>>, vector<2048x1024xf32>
    %get3A_2 = arith.constant 0 : index
    %get3A_3 = arith.constant 0 : index
    %get3A_4 = vector.load %arg2[%get3A_2, %get3A_3] : memref<1024x1024xf32, #tpu.memory_space<vmem>>, vector<1024x1024xf32>
    %dot_general3A = arith.constant dense<0.000000e+00> : vector<2048x1024xf32>
    %dot_general3A_5 = tpu.matmul %get3A_1, %get3A_4, %dot_general3A {dimension_numbers = #tpu.dot_dimension_numbers<[1], [1], [0], [0], [0, 0, 1, 0], [], []>, transpose_lhs_hint = false} : vector<2048x1024xf32>, vector<1024x1024xf32>, vector<2048x1024xf32> -> vector<2048x1024xf32>
    %get3A_6 = arith.constant 0 : index
    %get3A_7 = arith.constant 0 : index
    %get3A_8 = vector.load %arg3[%get3A_6, %get3A_7] : memref<1x1024xf32, #tpu.memory_space<vmem>>, vector<1x1024xf32>
    %add3A = vector.broadcast %get3A_8 : vector<1x1024xf32> to vector<2048x1024xf32>
    %add3A_9 = arith.addf %dot_general3A_5, %add3A : vector<2048x1024xf32>
    %swap3A = arith.constant 0 : index
    %swap3A_10 = arith.constant 0 : index
    %swap3A_11 = vector.load %arg4[%swap3A, %swap3A_10] : memref<2048x1024xf32, #tpu.memory_space<vmem>>, vector<2048x1024xf32>
    tpu.vector_store %arg4[%swap3A, %swap3A_10], %add3A_9 {strides = array<i32>} : memref<2048x1024xf32, #tpu.memory_space<vmem>>, vector<2048x1024xf32>,
    return
  }
  func.func @transform_0(%arg0: i32) -> (i32, i32) {
    %c0_i32 = arith.constant 0 : i32
    %c0_i32_0 = arith.constant 0 : i32
    %c0_i32_1 = arith.constant 0 : i32
    return %c0_i32, %c0_i32_0 : i32, i32
  }
  func.func @transform_1(%arg0: i32) -> (i32, i32) {
    %c0_i32 = arith.constant 0 : i32
    %c0_i32_0 = arith.constant 0 : i32
    return %arg0, %c0_i32 : i32, i32
  }
  func.func @transform_2(%arg0: i32) -> (i32, i32) {
    %c0_i32 = arith.constant 0 : i32
    %c0_i32_0 = arith.constant 0 : i32
    return %c0_i32, %arg0 : i32, i32
  }
  func.func @transform_3(%arg0: i32) -> (i32, i32) {
    %c0_i32 = arith.constant 0 : i32
    %c0_i32_0 = arith.constant 0 : i32
    return %c0_i32, %arg0 : i32, i32
  }
}

</mosaic_0001>

<sc_bundles>
// kernel: kernel.12.cloned.1.call-start
scs
__scs_entry_jumppad:
0x0: {  	(pc) =	sbr.rel $0x88, $3  }
0x1: {  	(tag) =	ssettag $0x0;
	lr =	simm.s32 $0x1  }
0x2: {  	[smem:$0x3F91] =	sst lr;
	_ =	strace $0xD0000000  }
0x3: {  	_ = 	snop  }
0x4: {  	_ = 	snop  }
0x5: {  	_ = 	snop  }
0x6: {  	_ = 	snop  }
0x7: {  	_ = 	snop  }
__scs_overlays_trampoline_lowered:
0x8: {  	[smem:$0x3FA0] =	sst s0  }
0x9: {  	[smem:$0x3FA1] =	sst s1  }
0xa: {  	[smem:$0x3FA2] =	sst s2  }
0xb: {  	[smem:$0x3FA3] =	sst s3  }
0xc: {  	[smem:$0x3FA4] =	sst s4  }
0xd: {  	[smem:$0x3FA5] =	sst s5  }
0xe: {  	[smem:$0x3FA6] =	sst s6  }
0xf: {  	[smem:$0x3FA7] =	sst s7  }
0x10: {  	[smem:$0x3FA8] =	sst s8  }
0x11: {  	[smem:$0x3FA9] =	sst s9;
	s0 =	simm.s32 @!p0 $0x0  }
0x12: {  	s1 =	sld [smem:$0x3F8F];
	s0 =	simm.s32 @p0 $0x1  }
0x13: {  	[smem:$0x3FAA] =	sst s0;
	s0 =	simm.s32 @!p1 $0x0  }
0x14: {  	s2 =	sld [smem:$0x3F8E];
	s0 =	simm.s32 @p1 $0x1  }
0x15: {  	[smem:$0x3FAB] =	sst s0;
	s0 =	simm.s32 @!p2 $0x0  }
0x16: {  	s3 =	sld [smem:$0x3FDB];
	s0 =	simm.s32 @p2 $0x1  }
0x17: {  	s4 =	simm.s32 $0x1BF5;
	[smem:$0x3FAD] =	sst s0  }
0x18: {  	s0 =	sld [smem:$0x3F90];
	_ =	swait.ge [sflag:s4], $0x0  }
0x19: {  	s7 =	sld [smem:$0x3F91]  }
0x1a: {  	s8 =	sadd.s32 $0xFFFFE003, lr  }
0x1b: {  	s9 =	sadd.s32 $0xFFFFFEF7, lr;
	s5 =	simm.s32 $0xFFFFFFFF;
	p2 =	slt.u32 s8, $0xFFFFF086  }
0x1c: {  	p1 =	slt.u32 s9, $0xF7A;
	s5 =	simm.s32 @!p2 $0x0  }
0x1d: {  	s5 =	simm.s32 @p1 $0x1;
	p0 =	seq.s32 s7, s2  }
0x1e: {  	s7 =	smul.u32 @!p0 $0xF7A, s2;
	p2 =	seq.s32 @!p0 s5, $0x0  }
0x1f: {  	s9 =	smul.u32 $0xF7A, s1;
	s8 =	simm.s32 @!p0 $0x1BF5;
	p2 =	por !p2, p0  }
0x20: {  	[sflag:s8] =	ssyncset.s32 @!p0 $0xFFFFF086;
	s6 =	sadd.s32 @!p0 s3, s7;
	s7 =	simm.s32 @!p0 $0x108  }
0x21: {  	s3 =	sadd.s32 s3, s9;
	s6 =	sadd.s32 @!p0 $0x88, s6;
	s7 =	simm.s32 @p2 $0x1082  }
0x22: {  	[simem:s7], [sflag:s8] =	dma.local @!p0 [hbm:s6], $0xF7A  }
0x23: {  	s9 =	sor.u32 $0xD0000000, s2;
	s6 =	simm.s32 $0x108;
	_ =	swait.ge @!p0 [sflag:s8], $0x0  }
0x24: {  	s3 =	sadd.s32 $0x88, s3;
	s6 =	simm.s32 @!p1 $0x1082;
	[sflag:s4] =	ssyncset.s32 $0xFFFFF086  }
0x25: {  	[simem:s6], [sflag:s4] =	dma.local [hbm:s3], $0xF7A  }
0x26: {  	[smem:$0x3F91] =	sst s1;
	(tag) =	ssettag s2;
	_ =	strace s9  }
0x27: {  	s1 =	sld [smem:$0x3FA1]  }
0x28: {  	s2 =	sld [smem:$0x3FA2]  }
0x29: {  	s4 =	sld [smem:$0x3FA4]  }
0x2a: {  	p0 =	seq.s32 s5, $0x0;
	s5 =	sld [smem:$0x3FA5]  }
0x2b: {  	s6 =	sld [smem:$0x3FA6]  }
0x2c: {  	s7 =	sld [smem:$0x3FA7]  }
0x2d: {  	s3 =	simm.s32 $0x108;
	s8 =	sld [smem:$0x3FA8]  }
0x2e: {  	s3 =	simm.s32 @!p0 $0x1082;
	s9 =	sld [smem:$0x3FA9]  }
0x2f: {  	lr =	sadd.s32 s0, s3;
	s0 =	sld [smem:$0x3FA0]  }
0x30: {  	s3 =	sld [smem:$0x3FA3]  }
0x31: {  	[smem:$0x3FAC] =	sst s10  }
0x32: {  	s10 =	sld [smem:$0x3FAA];
	_ =	sdelay $0x3  }
0x33: {  	p0 =	seq.s32 s10, $0x1;
	s10 =	sld [smem:$0x3FAC];
	_ =	sdelay $0x3  }
0x34: {  	[smem:$0x3FAC] =	sst s10  }
0x35: {  	s10 =	sld [smem:$0x3FAB];
	_ =	sdelay $0x3  }
0x36: {  	p1 =	seq.s32 s10, $0x1;
	s10 =	sld [smem:$0x3FAC];
	_ =	sdelay $0x3  }
0x37: {  	[smem:$0x3FAC] =	sst s10  }
0x38: {  	s10 =	sld [smem:$0x3FAD]  }
0x39: {  	_ = 	snop;
	(pc) =	sbr.ind lr, $3  }
0x3a: {  	_ = 	snop  }
0x3b: {  	_ = 	snop  }
0x3c: {  	p2 =	seq.s32 s10, $0x1;
	s10 =	sld [smem:$0x3FAC]  }
0x3d: {  	_ =	shalt  }
0x3e: {  	_ =	shalt  }
0x3f: {  	_ =	shalt  }
0x40: {  	_ =	shalt  }
0x41: {  	_ =	shalt  }
0x42: {  	_ =	shalt  }
0x43: {  	_ =	shalt  }
0x44: {  	_ =	shalt  }
0x45: {  	_ =	shalt  }
0x46: {  	_ =	shalt  }
0x47: {  	_ =	shalt  }
0x48: {  	_ =	shalt  }
0x49: {  	_ =	shalt  }
0x4a: {  	_ =	shalt  }
0x4b: {  	_ =	shalt  }
0x4c: {  	_ =	shalt  }
0x4d: {  	_ =	shalt  }
0x4e: {  	_ =	shalt  }
0x4f: {  	_ =	shalt  }
0x50: {  	_ =	shalt  }
0x51: {  	_ =	shalt  }
0x52: {  	_ =	shalt  }
0x53: {  	_ =	shalt  }
0x54: {  	_ =	shalt  }
0x55: {  	_ =	shalt  }
0x56: {  	_ =	shalt  }
0x57: {  	_ =	shalt  }
0x58: {  	_ =	shalt  }
0x59: {  	_ =	shalt  }
0x5a: {  	_ =	shalt  }
0x5b: {  	_ =	shalt  }
0x5c: {  	_ =	shalt  }
0x5d: {  	_ =	shalt  }
0x5e: {  	_ =	shalt  }
0x5f: {  	_ =	shalt  }
0x60: {  	_ =	shalt  }
0x61: {  	_ =	shalt  }
0x62: {  	_ =	shalt  }
0x63: {  	_ =	shalt  }
0x64: {  	_ =	shalt  }
0x65: {  	_ =	shalt  }
0x66: {  	_ =	shalt  }
0x67: {  	_ =	shalt  }
0x68: {  	_ =	shalt  }
0x69: {  	_ =	shalt  }
0x6a: {  	_ =	shalt  }
0x6b: {  	_ =	shalt  }
0x6c: {  	_ =	shalt  }
0x6d: {  	_ =	shalt  }
0x6e: {  	_ =	shalt  }
0x6f: {  	_ =	shalt  }
0x70: {  	_ =	shalt  }
0x71: {  	_ =	shalt  }
0x72: {  	_ =	shalt  }
0x73: {  	_ =	shalt  }
0x74: {  	_ =	shalt  }
0x75: {  	_ =	shalt  }
0x76: {  	_ =	shalt  }
0x77: {  	_ =	shalt  }
0x78: {  	_ =	shalt  }
0x79: {  	_ =	shalt  }
0x7a: {  	_ =	shalt  }
0x7b: {  	_ =	shalt  }
0x7c: {  	_ =	shalt  }
0x7d: {  	_ =	shalt  }
0x7e: {  	_ =	shalt  }
0x7f: {  	_ =	shalt  }
0x80: {  	_ =	shalt  }
0x81: {  	_ =	shalt  }
0x82: {  	_ =	shalt  }
0x83: {  	_ =	shalt  }
0x84: {  	_ =	shalt  }
0x85: {  	_ =	shalt  }
0x86: {  	_ =	shalt  }
0x87: {  	_ =	shalt  }
.Lfunc_end0:
.L_simem_size_0:
called_computation.1_lowered:
.L_overlay_start_0:
0x88: {  	s2 =	sld [smem:$0x3FD9]  }
0x89: {  	s3 =	sld [smem:$0x3FFE];
	_ =	sdelay $0x1  }
0x8a: {  	s1 =	srdreg.scid  }
0x8b: {  	s0 =	sand.u32 $0x1, s1  }
0x8c: {  	s17 =	sshll.u32 s0, $0xA;
	s2 =	sadd.s32 s3, s2  }
0x8d: {  	s2 =	sadd.s32 s2, s17  }
0x8e: {  	[smem:$0x3FB8] =	sst s2  }
0x8f: {  	_ = 	snop  }
0x90: {  	s18 =	sld [smem:$0x3FC6];
	(tm) =	ssettm $0x1  }
0x91: {  	s19 =	sld [smem:$0x3FFB];
	_ =	sdelay $0x3  }
0x92: {  	_ =	strace s19  }
0x93: {  	s2 =	sld [smem:$0x3FFC];
	_ =	sdelay $0x3  }
0x94: {  	_ =	strace s2  }
0x95: {  	s2 =	sld [smem:$0x3FFD];
	_ =	sdelay $0x3  }
0x96: {  	_ =	strace s2  }
0x97: {  	_ =	strace $0x8FFFFFFF  }
0x98: {  	s20 =	sld [smem:$0x3FDB];
	_ =	sdelay $0x1  }
0x99: {  	s4 =	simm.s32 $_scs_section_size  }
0x9a: {  	s5 =	simm.s32 $_size__tile_overlayer_lowered;
	s6 =	simm.s32 $_tile_overlayer_lowered  }
0x9b: {  	s7 =	simm.s32 $0x1BFF;
	s21 =	sshll.u32 s6, $0x1;
	s4 =	sadd.s32 s4, s20  }
0x9c: {  	s22 =	simm.s32 $0x0;
	s5 =	sshll.u32 s5, $0x1;
	s6 =	sadd.s32 s21, s4  }
0x9d: {  	[timem:s22], [sflag:s7] =	dma.local [hbm:s6], s5  }
0x9e: {  	_ =	swait.ge [sflag:s7], s5  }
0x9f: {  	s5 =	ssub.s32 $0x0, s5;
	[sflag:s7] =	ssyncset.done $0x0  }
0xa0: {  	[sflag:s7] =	ssyncadd.s32 s5;
	_ =	sdelay $0x1  }
0xa1: {  	s23 =	simm.s32 $0x1B8B  }
0xa2: {  	_ =	swait.ge [sflag:s23], $0x1  }
0xa3: {  	[sflag:s23] =	ssyncset.done $0x0  }
0xa4: {  	[sflag:s23] =	ssyncadd.s32 $0xFFFFFFFF  }
0xa5: {  	s5 =	sld [smem:$0x0]  }
0xa6: {  	s6 =	sand.u32 $0xFFFFFFFE, s1  }
0xa7: {  	p0 =	sne.s32 s1, s6  }
0xa8: {  	s6 =	sshll.u32 @p0 s6, $0xE  }
0xa9: {  	s6 =	sadd.s32 @p0 $0x11B8D, s6;
	s7 =	sshll.u32 @p0 s5, $0x11  }
0xaa: {  	s6 =	sor.u32 @p0 s7, s6  }
0xab: {  	[sflag:s6] =	ssyncadd.remote.s32 @p0 $0x1;
	_ =	sdelay $0x1  }
0xac: {  	s6 =	simm.s32 @p0 $0x1B8D  }
0xad: {  	_ =	swait.eq @p0 [sflag:s6], $0x1  }
0xae: {  	[sflag:s6] =	ssyncadd.s32 @p0 $0xFFFFFFFF  }
0xaf: {  	s7 =	sshll.u32 @!p0 s1, $0xE  }
0xb0: {  	s7 =	sor.u32 @!p0 $0x4000, s7;
	s6 =	simm.s32 @!p0 $0x1B8D  }
0xb1: {  	s5 =	sshll.u32 @!p0 s5, $0x11;
	s7 =	sadd.s32 @!p0 $0x11B8D, s7;
	_ =	swait.eq @!p0 [sflag:s6], $0x1  }
0xb2: {  	s5 =	sor.u32 @!p0 s5, s7;
	[sflag:s6] =	ssyncadd.s32 @!p0 $0xFFFFFFFF  }
0xb3: {  	s25 =	simm.s32 $0x1B8E;
	s24 =	sld [smem:$0x3FFE];
	[sflag:s5] =	ssyncadd.remote.s32 @!p0 $0x1  }
0xb4: {  	s26 =	simm.s32 $execute0_lowered;
	[smem:$0x3FD2] =	sst s25  }
0xb5: {  	s6 =	sshll.u32 s26, $0x1;
	_ =	strace $0x80000049;
	[dreg:$0x1] =	wrdreg $0xFFFFFFFF  }
0xb6: {  	s28 =	simm.s32 $_size_execute0_lowered;
	s4 =	sadd.s32 s4, s6;
	[dreg:$0x0] =	wrdreg $0x0  }
0xb7: {  	s6 =	sshll.u32 s28, $0x1;
	[dreg:$0x2] =	wrdreg s4  }
0xb8: {  	[dreg:$0x3] =	wrdreg s6  }
0xb9: {  	[dreg:$0x4] =	wrdreg $0xC0  }
0xba: {  	_ =	task [dreg:s22], $0x5FFFF  }
0xbb: {  	[dreg:$0x1] =	wrdreg $0xFFFFFFFF  }
0xbc: {  	[dreg:$0x0] =	wrdreg $0x60  }
0xbd: {  	[dreg:$0x2] =	wrdreg s18  }
0xbe: {  	[dreg:$0x3] =	wrdreg s24  }
0xbf: {  	[dreg:$0x4] =	wrdreg $0xA  }
0xc0: {  	_ =	task.clear_ibuf [dreg:s22], $0x5FFFF;
	_ =	strace $0x90000049  }
0xc1: {  	s29 =	simm.s32 $0xA;
	_ =	strace $0x8000004B  }
0xc2: {  	_ =	swait.ge [sflag:s29], $0x1  }
0xc3: {  	[sflag:s29] =	ssyncadd.s32 $0xFFFFFFFF  }
0xc4: {  	_ =	strace $0x9000004B  }
0xc5: {  	_ =	sfence  }
0xc6: {  	s30 =	sld [smem:$0x0];
	_ =	sdelay $0x2  }
0xc7: {  	s31 =	sshll.u32 s1, $0xD;
	s1 =	sshrl.u32 s1, $0x2  }
0xc8: {  	s4 =	sand.u32 $0x4000, s31;
	s1 =	sadd.s32 s1, s30  }
0xc9: {  	s0 =	sor.u32 s4, s0;
	s1 =	sshll.u32 s1, $0x11  }
0xca: {  	s0 =	sor.u32 s1, s0  }
0xcb: {  	s0 =	sadd.s32 $0x8F2B, s0  }
0xcc: {  	[sflag:s0] =	ssyncadd.remote.s32 $0x1  }
0xcd: {  	_ =	sfence.sel $0xFFFF  }
0xce: {  	[dreg:$0x0] =	wrdreg $0xFFFFFFFF;
	(pc) =	sbr.abs _section_cstart, $3  }
0xcf: {  	[dreg:$0x1] =	wrdreg $0xFFFFFFFF  }
0xd0: {  	_ =	task.clear_ibuf [dreg:s22], $0x2FFFF;
	_ =	strace $0x9FFFFFFF  }
0xd1: {  	(tm) =	ssettm $0x7FFFFFFF  }
tec
execute0_lowered:
.L_overlay_start_1:
0x0: {  	(tag) =	ssettag $0x1  }
0x1: {  	s1 =	rddreg [dreg:$0x0]  }
0x2: {  	s0 =	rddreg [dreg:$0x1];
	s3 =	simm.s32 $0x0  }
0x3: {  	s13 =	simm.s32 $0x80;
	[smem:$0x7FF] =	sst s3  }
0x4: {  	s14 =	simm.s32 $0x900;
	_ =	strace $0x8000004A;
	[dreg:$0x7] =	wrdreg s13  }
0x5: {  	s4 =	srdreg.scid;
	s15 =	simm.s32 $0x1100;
	[dreg:$0x8] =	wrdreg s14  }
0x6: {  	s2 =	stileid.u32;
	s16 =	simm.s32 $0x1900;
	[dreg:$0x9] =	wrdreg s15  }
0x7: {  	s17 =	simm.s32 $0x2100;
	s19 =	simm.s32 $0x2900;
	[dreg:$0xa] =	wrdreg s16  }
0x8: {  	s21 =	simm.s32 $0x3100;
	s22 =	simm.s32 $0x3900;
	[dreg:$0xb] =	wrdreg s17  }
0x9: {  	s23 =	simm.s32 $0x4100;
	s24 =	simm.s32 $0x4900;
	[dreg:$0xc] =	wrdreg s19  }
0xa: {  	s25 =	simm.s32 $0x5100;
	s26 =	simm.s32 $0x5900;
	[dreg:$0xd] =	wrdreg s21  }
0xb: {  	s28 =	simm.s32 $0xE900;
	s29 =	simm.s32 $0xF100;
	[dreg:$0xe] =	wrdreg s22  }
0xc: {  	s30 =	simm.s32 $0xF900;
	s31 =	simm.s32 $0x1;
	[dreg:$0xf] =	wrdreg s23  }
0xd: {  	s4 =	sand.u32 $0x1, s4;
	s5 =	sshll.u32 s2, $0x7;
	[dreg:$0x10] =	wrdreg s24  }
0xe: {  	s11 =	sadd.s32 $0x2C00, s0;
	s0 =	sadd.s32 $0x2E00, s0;
	[dreg:$0x11] =	wrdreg s25  }
0xf: {  	s6 =	sshll.u32 s4, $0x6;
	s4 =	ssub.s32 $0x2, s4;
	[dreg:$0x12] =	wrdreg s26  }
0x10: {  	s13 =	simm.s32 $0x7900;
	s14 =	simm.s32 $0x8100;
	s15 =	simm.s32 $0x8900  }
0x11: {  	s16 =	simm.s32 $0x9100;
	s17 =	simm.s32 $0x9900;
	s19 =	simm.s32 $0xA900  }
0x12: {  	s21 =	simm.s32 $0xB900;
	s22 =	simm.s32 $0xC100;
	s23 =	simm.s32 $0xC900  }
0x13: {  	s24 =	simm.s32 $0xD100;
	s25 =	simm.s32 $0xD900;
	s5 =	sor.u32 s6, s5  }
0x14: {  	s26 =	simm.s32 $0xE100;
	s18 =	sshrl.u32 s4, $0x1;
	s7 =	sshrl.u32 s5, $0x3  }
0x15: {  	s8 =	sor.u32 $0x20, s5;
	s5 =	sshll.u32 s5, $0x7;
	s20 =	ssub.s32 s4, s18  }
0x16: {  	s4 =	sadd.s32 $0x100, s1;
	s18 =	simm.s32 $0xA100;
	s7 =	sadd.s32 s11, s7  }
0x17: {  	s9 =	sshrl.u32 s8, $0x3;
	s5 =	sadd.s32 s0, s5;
	s12 =	sshll.u32 s8, $0x7  }
0x18: {  	s8 =	simm.s32 $0x3;
	[dreg:$0x3] =	wrdreg s7;
	s6 =	sadd.s32 s11, s9  }
0x19: {  	[dreg:$0x5] =	wrdreg s5;
	s0 =	sadd.s32 s0, s12;
	s5 =	sadd.s32 $0x200, s1  }
0x1a: {  	v2 =	vlaneseq.u32;
	s7 =	smax.u32 s20, $0x1;
	s9 =	simm.s32 $0x100;
	s11 =	simm.s32 $0x6900  }
0x1b: {  	vm0 =	vmmov $0xffff;
	v1 =	vshrl.u32 v2, $0x3;
	s12 =	simm.s32 $0x7100;
	s20 =	simm.s32 $0xB100;
	[dreg:$0x4] =	wrdreg s6  }
0x1c: {  	v0 =	vand.u32 $0x7, v2;
	v2 =	vor.u32 $0x8, v2;
	v1 =	vmul.u32 $0x8, v1;
	[dreg:$0x6] =	wrdreg s0;
	s6 =	sadd.s32 $0x300, s1;
	s0 =	simm.s32 $0x2  }
.LBB2_1:
0x1d: {  	s2 =	rddreg [dreg:$0x3]  }
0x1e: {  	[tilespmem:s3], [sflag:$0x3] =	stream.linear.gather [hbm4b:s2+s3], $0x20, $0x38;
	[tilespmem:$0x10100] =	vst v63  }
0x1f: {  	_ =	swait.ge [sflag:s8], $0x20  }
0x20: {  	s2 =	rddreg [dreg:$0x4];
	[sflag:s8] =	ssyncset.done $0x0  }
0x21: {  	s10 =	rddreg [dreg:$0x7];
	[sflag:s8] =	ssyncadd.s32 $0xFFFFFFE0  }
0x22: {  	[tilespmem:s10], [sflag:$0x3] =	stream.linear.gather [hbm4b:s2+s3], $0x20, $0x38;
	[tilespmem:$0x10100] =	vst v63  }
0x23: {  	_ =	swait.ge [sflag:s8], $0x20  }
0x24: {  	[sflag:s8] =	ssyncset.done $0x0  }
0x25: {  	[sflag:s8] =	ssyncadd.s32 $0xFFFFFFE0  }
0x26: {  	v3 =	vld [tilespmem:$0x0];
	_ =	sdelay $0x4  }
0x27: {  	v4 =	vshll.u32 v3, $0x3  }
0x28: {  	v3 =	vand.u32 $0x7, v3;
	v4 =	vand.u32 $0xFFFFFFC0, v4  }
0x29: {  	v3 =	vor.u32 v3, v4  }
0x2a: {  	v4 =	vperm.xlane v3, v0;
	_ =	sdelay $0x1  }
0x2b: {  	v4 =	vadd.s32 v1, v4;
	_ =	sdelay $0x4  }
0x2c: {  	[tilespmem:s9], [sflag:$0x1] =	stream.indirect_vreg.gather [hbm4b:s1+s3], $0x80, v4, vm0, $0xb8;
	[tilespmem:$0x10100] =	vst v63  }
0x2d: {  	s2 =	rddreg [dreg:$0x8];
	v3 =	vperm.xlane v3, v2  }
0x2e: {  	[tilespmem:s2], [sflag:$0x1] =	stream.indirect_vreg.gather [hbm4b:s4+s3], $0x80, v4, vm0, $0xb8;
	[tilespmem:$0x10100] =	vst v63  }
0x2f: {  	s10 =	rddreg [dreg:$0x9];
	v3 =	vadd.s32 v1, v3  }
0x30: {  	[tilespmem:s10], [sflag:$0x1] =	stream.indirect_vreg.gather [hbm4b:s5+s3], $0x80, v4, vm0, $0xb8;
	[tilespmem:$0x10100] =	vst v63  }
0x31: {  	s2 =	rddreg [dreg:$0xa]  }
0x32: {  	[tilespmem:s2], [sflag:$0x1] =	stream.indirect_vreg.gather [hbm4b:s6+s3], $0x80, v4, vm0, $0xb8;
	[tilespmem:$0x10100] =	vst v63  }
0x33: {  	s10 =	rddreg [dreg:$0xb]  }
0x34: {  	[tilespmem:s10], [sflag:$0x1] =	stream.indirect_vreg.gather [hbm4b:s1+s3], $0x80, v3, vm0, $0xb8;
	[tilespmem:$0x10100] =	vst v63  }
0x35: {  	s2 =	rddreg [dreg:$0xc]  }
0x36: {  	[tilespmem:s2], [sflag:$0x1] =	stream.indirect_vreg.gather [hbm4b:s4+s3], $0x80, v3, vm0, $0xb8;
	[tilespmem:$0x10100] =	vst v63  }
0x37: {  	s10 =	rddreg [dreg:$0xd]  }
0x38: {  	[tilespmem:s10], [sflag:$0x1] =	stream.indirect_vreg.gather [hbm4b:s5+s3], $0x80, v3, vm0, $0xb8;
	[tilespmem:$0x10100] =	vst v63  }
0x39: {  	s2 =	rddreg [dreg:$0xe]  }
0x3a: {  	[tilespmem:s2], [sflag:$0x1] =	stream.indirect_vreg.gather [hbm4b:s6+s3], $0x80, v3, vm0, $0xb8;
	[tilespmem:$0x10100] =	vst v63  }
0x3b: {  	v3 =	vld [tilespmem:$0x10];
	_ =	sdelay $0x4  }
0x3c: {  	v61 =	vshll.u32 v3, $0x3  }
0x3d: {  	v3 =	vand.u32 $0x7, v3;
	v4 =	vand.u32 $0xFFFFFFC0, v61  }
0x3e: {  	v3 =	vor.u32 v3, v4  }
0x3f: {  	v4 =	vperm.xlane v3, v0;
	_ =	sdelay $0x1  }
0x40: {  	v4 =	vadd.s32 v1, v4;
	_ =	sdelay $0x3  }
0x41: {  	s2 =	rddreg [dreg:$0xf]  }
0x42: {  	[tilespmem:s2], [sflag:$0x1] =	stream.indirect_vreg.gather [hbm4b:s1+s3], $0x80, v4, vm0, $0xb8;
	[tilespmem:$0x10100] =	vst v63  }
0x43: {  	s10 =	rddreg [dreg:$0x10];
	v3 =	vperm.xlane v3, v2  }
0x44: {  	[tilespmem:s10], [sflag:$0x1] =	stream.indirect_vreg.gather [hbm4b:s4+s3], $0x80, v4, vm0, $0xb8;
	[tilespmem:$0x10100] =	vst v63  }
0x45: {  	v3 =	vadd.s32 v1, v3;
	s2 =	rddreg [dreg:$0x11]  }
0x46: {  	[tilespmem:s2], [sflag:$0x1] =	stream.indirect_vreg.gather [hbm4b:s5+s3], $0x80, v4, vm0, $0xb8;
	[tilespmem:$0x10100] =	vst v63  }
0x47: {  	s10 =	rddreg [dreg:$0x12]  }
0x48: {  	[tilespmem:s10], [sflag:$0x1] =	stream.indirect_vreg.gather [hbm4b:s6+s3], $0x80, v4, vm0, $0xb8;
	[tilespmem:$0x10100] =	vst v63  }
0x49: {  	s10 =	simm.s32 $0x6100  }
0x4a: {  	[tilespmem:s10], [sflag:$0x1] =	stream.indirect_vreg.gather [hbm4b:s1+s3], $0x80, v3, vm0, $0xb8;
	[tilespmem:$0x10100] =	vst v63  }
0x4b: {  	_ = 	snop  }
0x4c: {  	[tilespmem:s11], [sflag:$0x1] =	stream.indirect_vreg.gather [hbm4b:s4+s3], $0x80, v3, vm0, $0xb8;
	[tilespmem:$0x10100] =	vst v63  }
0x4d: {  	_ = 	snop  }
0x4e: {  	[tilespmem:s12], [sflag:$0x1] =	stream.indirect_vreg.gather [hbm4b:s5+s3], $0x80, v3, vm0, $0xb8;
	[tilespmem:$0x10100] =	vst v63  }
0x4f: {  	_ = 	snop  }
0x50: {  	[tilespmem:s13], [sflag:$0x1] =	stream.indirect_vreg.gather [hbm4b:s6+s3], $0x80, v3, vm0, $0xb8;
	[tilespmem:$0x10100] =	vst v63  }
0x51: {  	v3 =	vld [tilespmem:$0x80];
	_ =	sdelay $0x4  }
0x52: {  	v62 =	vshll.u32 v3, $0x3  }
0x53: {  	v3 =	vand.u32 $0x7, v3;
	v4 =	vand.u32 $0xFFFFFFC0, v62  }
0x54: {  	v3 =	vor.u32 v3, v4  }
0x55: {  	v4 =	vperm.xlane v3, v0;
	_ =	sdelay $0x1  }
0x56: {  	v4 =	vadd.s32 v1, v4;
	_ =	sdelay $0x4  }
0x57: {  	[tilespmem:s14], [sflag:$0x2] =	stream.indirect_vreg.gather [hbm4b:s1+s3], $0x80, v4, vm0, $0xb8;
	[tilespmem:$0x10100] =	vst v63  }
0x58: {  	v3 =	vperm.xlane v3, v2  }
0x59: {  	[tilespmem:s15], [sflag:$0x2] =	stream.indirect_vreg.gather [hbm4b:s4+s3], $0x80, v4, vm0, $0xb8;
	[tilespmem:$0x10100] =	vst v63  }
0x5a: {  	v3 =	vadd.s32 v1, v3  }
0x5b: {  	[tilespmem:s16], [sflag:$0x2] =	stream.indirect_vreg.gather [hbm4b:s5+s3], $0x80, v4, vm0, $0xb8;
	[tilespmem:$0x10100] =	vst v63  }
0x5c: {  	_ = 	snop  }
0x5d: {  	[tilespmem:s17], [sflag:$0x2] =	stream.indirect_vreg.gather [hbm4b:s6+s3], $0x80, v4, vm0, $0xb8;
	[tilespmem:$0x10100] =	vst v63  }
0x5e: {  	_ = 	snop  }
0x5f: {  	[tilespmem:s18], [sflag:$0x2] =	stream.indirect_vreg.gather [hbm4b:s1+s3], $0x80, v3, vm0, $0xb8;
	[tilespmem:$0x10100] =	vst v63  }
0x60: {  	_ = 	snop  }
0x61: {  	[tilespmem:s19], [sflag:$0x2] =	stream.indirect_vreg.gather [hbm4b:s4+s3], $0x80, v3, vm0, $0xb8;
	[tilespmem:$0x10100] =	vst v63  }
0x62: {  	_ = 	snop  }
0x63: {  	[tilespmem:s20], [sflag:$0x2] =	stream.indirect_vreg.gather [hbm4b:s5+s3], $0x80, v3, vm0, $0xb8;
	[tilespmem:$0x10100] =	vst v63  }
0x64: {  	_ = 	snop  }
0x65: {  	[tilespmem:s21], [sflag:$0x2] =	stream.indirect_vreg.gather [hbm4b:s6+s3], $0x80, v3, vm0, $0xb8;
	[tilespmem:$0x10100] =	vst v63  }
0x66: {  	v3 =	vld [tilespmem:$0x90];
	_ =	sdelay $0x4  }
0x67: {  	v63 =	vshll.u32 v3, $0x3  }
0x68: {  	v3 =	vand.u32 $0x7, v3;
	v4 =	vand.u32 $0xFFFFFFC0, v63  }
0x69: {  	v3 =	vor.u32 v3, v4  }
0x6a: {  	v4 =	vperm.xlane v3, v0;
	_ =	sdelay $0x1  }
0x6b: {  	v4 =	vadd.s32 v1, v4;
	_ =	sdelay $0x4  }
0x6c: {  	[tilespmem:s22], [sflag:$0x2] =	stream.indirect_vreg.gather [hbm4b:s1+s3], $0x80, v4, vm0, $0xb8;
	[tilespmem:$0x10100] =	vst v63  }
0x6d: {  	v3 =	vperm.xlane v3, v2  }
0x6e: {  	[tilespmem:s23], [sflag:$0x2] =	stream.indirect_vreg.gather [hbm4b:s4+s3], $0x80, v4, vm0, $0xb8;
	[tilespmem:$0x10100] =	vst v63  }
0x6f: {  	v3 =	vadd.s32 v1, v3  }
0x70: {  	[tilespmem:s24], [sflag:$0x2] =	stream.indirect_vreg.gather [hbm4b:s5+s3], $0x80, v4, vm0, $0xb8;
	[tilespmem:$0x10100] =	vst v63  }
0x71: {  	_ = 	snop  }
0x72: {  	[tilespmem:s25], [sflag:$0x2] =	stream.indirect_vreg.gather [hbm4b:s6+s3], $0x80, v4, vm0, $0xb8;
	[tilespmem:$0x10100] =	vst v63  }
0x73: {  	_ = 	snop  }
0x74: {  	[tilespmem:s26], [sflag:$0x2] =	stream.indirect_vreg.gather [hbm4b:s1+s3], $0x80, v3, vm0, $0xb8;
	[tilespmem:$0x10100] =	vst v63  }
0x75: {  	_ = 	snop  }
0x76: {  	[tilespmem:s28], [sflag:$0x2] =	stream.indirect_vreg.gather [hbm4b:s4+s3], $0x80, v3, vm0, $0xb8;
	[tilespmem:$0x10100] =	vst v63  }
0x77: {  	_ = 	snop  }
0x78: {  	[tilespmem:s29], [sflag:$0x2] =	stream.indirect_vreg.gather [hbm4b:s5+s3], $0x80, v3, vm0, $0xb8;
	[tilespmem:$0x10100] =	vst v63  }
0x79: {  	_ = 	snop  }
0x7a: {  	[tilespmem:s30], [sflag:$0x2] =	stream.indirect_vreg.gather [hbm4b:s6+s3], $0x80, v3, vm0, $0xb8;
	[tilespmem:$0x10100] =	vst v63  }
0x7b: {  	_ =	swait.ge [sflag:s31], $0x8000  }
0x7c: {  	[sflag:s31] =	ssyncset.done $0x0  }
0x7d: {  	s10 =	rddreg [dreg:$0x5];
	[sflag:s31] =	ssyncadd.s32 $0xFFFF8000  }
0x7e: {  	[hbm4b:s10+s3] =	stream.linear.scatter [tilespmem:s9], [sflag:$0x3], $0x8000, $0x38;
	[tilespmem:$0x10100] =	vst v63  }
0x7f: {  	_ =	swait.ge [sflag:s8], $0x8000  }
0x80: {  	[sflag:s8] =	ssyncset.done $0x0  }
0x81: {  	[sflag:s8] =	ssyncadd.s32 $0xFFFF8000  }
0x82: {  	_ =	swait.ge [sflag:s0], $0x8000  }
0x83: {  	p0 =	sne.s32 s7, $0x1;
	[sflag:s0] =	ssyncset.done $0x0  }
.Ltmp0:
0x84: {  	s10 =	rddreg [dreg:$0x6];
	[sflag:s0] =	ssyncadd.s32 $0xFFFF8000;
	(pc) =	sbr.rel @p0 .LBB2_1-.Ltmp0, $4  }
0x85: {  	[hbm4b:s10+s3] =	stream.linear.scatter [tilespmem:s14], [sflag:$0x3], $0x8000, $0x38;
	[tilespmem:$0x10100] =	vst v63  }
0x86: {  	_ =	swait.ge [sflag:s8], $0x8000  }
0x87: {  	[sflag:s8] =	ssyncset.done $0x0  }
0x88: {  	s7 =	sadd.s32 $0xFFFFFFFF, s7;
	[sflag:s8] =	ssyncadd.s32 $0xFFFF8000  }
0x89: {  	_ =	sfence.sel $0x180000  }
0x8a: {  	[bflag:$0x0] =	sbarrier.arrive $0xFFFF  }
0x8b: {  	_ =	strace $0x9000004A  }
0x8c: {  	s0 =	stileid.u32;
	[bflag:$0x2] =	sbarrier.arrive $0xFFFF  }
0x8d: {  	p0 =	sne.s32 s0, $0x0;
	s0 =	rddreg [dreg:$0x2]  }
0x8e: {  	s0 =	sadd.s32 @!p0 $0x100000, s0  }
0x8f: {  	[sflag:s0] =	ssyncadd.tile.s32 @!p0 $0x1;
	_ =	shalt  }
.Lfunc_end2:
_tile_overlayer_lowered:
.L_overlay_start_2:
0x90: {  	(tag) =	ssettag $0x2  }
0x91: {  	s0 =	rddreg [dreg:$0x0];
	s2 =	stileid.u32  }
0x92: {  	s1 =	rddreg [dreg:$0x1];
	p0 =	sne.s32 s2, $0x0  }
0x93: {  	s3 =	rddreg [dreg:$0x2];
	[bflag:$0x3] =	sbarrier.arrive $0xFFFF;
	s2 =	simm.s32 @!p0 $0x1C03  }
0x94: {  	[timem:s3], [sflag:s2] =	dma.local @!p0 [hbm:s0], s1  }
0x95: {  	s0 =	simm.s32 @!p0 $0x3  }
0x96: {  	_ =	swait.ge @!p0 [sflag:s0], s1  }
0x97: {  	s1 =	ssub.s32 @!p0 $0x0, s1;
	[sflag:s0] =	ssyncset.done @!p0 $0x0  }
0x98: {  	[sflag:s0] =	ssyncadd.s32 @!p0 s1  }
0x99: {  	[bflag:$0x3] =	sbarrier.arrive $0xFFFF  }
0x9a: {  	_ =	shalt  }

// kernel: kernel.9.cloned.1.call-start
scs
__scs_entry_jumppad:
0x0: {  	(pc) =	sbr.rel $0x88, $3  }
0x1: {  	(tag) =	ssettag $0x0;
	lr =	simm.s32 $0x1  }
0x2: {  	[smem:$0x3F91] =	sst lr;
	_ =	strace $0xD0000000  }
0x3: {  	_ = 	snop  }
0x4: {  	_ = 	snop  }
0x5: {  	_ = 	snop  }
0x6: {  	_ = 	snop  }
0x7: {  	_ = 	snop  }
__scs_overlays_trampoline_lowered:
0x8: {  	[smem:$0x3FA0] =	sst s0  }
0x9: {  	[smem:$0x3FA1] =	sst s1  }
0xa: {  	[smem:$0x3FA2] =	sst s2  }
0xb: {  	[smem:$0x3FA3] =	sst s3  }
0xc: {  	[smem:$0x3FA4] =	sst s4  }
0xd: {  	[smem:$0x3FA5] =	sst s5  }
0xe: {  	[smem:$0x3FA6] =	sst s6  }
0xf: {  	[smem:$0x3FA7] =	sst s7  }
0x10: {  	[smem:$0x3FA8] =	sst s8  }
0x11: {  	[smem:$0x3FA9] =	sst s9;
	s0 =	simm.s32 @!p0 $0x0  }
0x12: {  	s1 =	sld [smem:$0x3F8F];
	s0 =	simm.s32 @p0 $0x1  }
0x13: {  	[smem:$0x3FAA] =	sst s0;
	s0 =	simm.s32 @!p1 $0x0  }
0x14: {  	s2 =	sld [smem:$0x3F8E];
	s0 =	simm.s32 @p1 $0x1  }
0x15: {  	[smem:$0x3FAB] =	sst s0;
	s0 =	simm.s32 @!p2 $0x0  }
0x16: {  	s3 =	sld [smem:$0x3FDB];
	s0 =	simm.s32 @p2 $0x1  }
0x17: {  	s4 =	simm.s32 $0x1BF5;
	[smem:$0x3FAD] =	sst s0  }
0x18: {  	s0 =	sld [smem:$0x3F90];
	_ =	swait.ge [sflag:s4], $0x0  }
0x19: {  	s7 =	sld [smem:$0x3F91]  }
0x1a: {  	s8 =	sadd.s32 $0xFFFFE003, lr  }
0x1b: {  	s9 =	sadd.s32 $0xFFFFFEF7, lr;
	s5 =	simm.s32 $0xFFFFFFFF;
	p2 =	slt.u32 s8, $0xFFFFF086  }
0x1c: {  	p1 =	slt.u32 s9, $0xF7A;
	s5 =	simm.s32 @!p2 $0x0  }
0x1d: {  	s5 =	simm.s32 @p1 $0x1;
	p0 =	seq.s32 s7, s2  }
0x1e: {  	s7 =	smul.u32 @!p0 $0xF7A, s2;
	p2 =	seq.s32 @!p0 s5, $0x0  }
0x1f: {  	s9 =	smul.u32 $0xF7A, s1;
	s8 =	simm.s32 @!p0 $0x1BF5;
	p2 =	por !p2, p0  }
0x20: {  	[sflag:s8] =	ssyncset.s32 @!p0 $0xFFFFF086;
	s6 =	sadd.s32 @!p0 s3, s7;
	s7 =	simm.s32 @!p0 $0x108  }
0x21: {  	s3 =	sadd.s32 s3, s9;
	s6 =	sadd.s32 @!p0 $0x88, s6;
	s7 =	simm.s32 @p2 $0x1082  }
0x22: {  	[simem:s7], [sflag:s8] =	dma.local @!p0 [hbm:s6], $0xF7A  }
0x23: {  	s9 =	sor.u32 $0xD0000000, s2;
	s6 =	simm.s32 $0x108;
	_ =	swait.ge @!p0 [sflag:s8], $0x0  }
0x24: {  	s3 =	sadd.s32 $0x88, s3;
	s6 =	simm.s32 @!p1 $0x1082;
	[sflag:s4] =	ssyncset.s32 $0xFFFFF086  }
0x25: {  	[simem:s6], [sflag:s4] =	dma.local [hbm:s3], $0xF7A  }
0x26: {  	[smem:$0x3F91] =	sst s1;
	(tag) =	ssettag s2;
	_ =	strace s9  }
0x27: {  	s1 =	sld [smem:$0x3FA1]  }
0x28: {  	s2 =	sld [smem:$0x3FA2]  }
0x29: {  	s4 =	sld [smem:$0x3FA4]  }
0x2a: {  	p0 =	seq.s32 s5, $0x0;
	s5 =	sld [smem:$0x3FA5]  }
0x2b: {  	s6 =	sld [smem:$0x3FA6]  }
0x2c: {  	s7 =	sld [smem:$0x3FA7]  }
0x2d: {  	s3 =	simm.s32 $0x108;
	s8 =	sld [smem:$0x3FA8]  }
0x2e: {  	s3 =	simm.s32 @!p0 $0x1082;
	s9 =	sld [smem:$0x3FA9]  }
0x2f: {  	lr =	sadd.s32 s0, s3;
	s0 =	sld [smem:$0x3FA0]  }
0x30: {  	s3 =	sld [smem:$0x3FA3]  }
0x31: {  	[smem:$0x3FAC] =	sst s10  }
0x32: {  	s10 =	sld [smem:$0x3FAA];
	_ =	sdelay $0x3  }
0x33: {  	p0 =	seq.s32 s10, $0x1;
	s10 =	sld [smem:$0x3FAC];
	_ =	sdelay $0x3  }
0x34: {  	[smem:$0x3FAC] =	sst s10  }
0x35: {  	s10 =	sld [smem:$0x3FAB];
	_ =	sdelay $0x3  }
0x36: {  	p1 =	seq.s32 s10, $0x1;
	s10 =	sld [smem:$0x3FAC];
	_ =	sdelay $0x3  }
0x37: {  	[smem:$0x3FAC] =	sst s10  }
0x38: {  	s10 =	sld [smem:$0x3FAD]  }
0x39: {  	_ = 	snop;
	(pc) =	sbr.ind lr, $3  }
0x3a: {  	_ = 	snop  }
0x3b: {  	_ = 	snop  }
0x3c: {  	p2 =	seq.s32 s10, $0x1;
	s10 =	sld [smem:$0x3FAC]  }
0x3d: {  	_ =	shalt  }
0x3e: {  	_ =	shalt  }
0x3f: {  	_ =	shalt  }
0x40: {  	_ =	shalt  }
0x41: {  	_ =	shalt  }
0x42: {  	_ =	shalt  }
0x43: {  	_ =	shalt  }
0x44: {  	_ =	shalt  }
0x45: {  	_ =	shalt  }
0x46: {  	_ =	shalt  }
0x47: {  	_ =	shalt  }
0x48: {  	_ =	shalt  }
0x49: {  	_ =	shalt  }
0x4a: {  	_ =	shalt  }
0x4b: {  	_ =	shalt  }
0x4c: {  	_ =	shalt  }
0x4d: {  	_ =	shalt  }
0x4e: {  	_ =	shalt  }
0x4f: {  	_ =	shalt  }
0x50: {  	_ =	shalt  }
0x51: {  	_ =	shalt  }
0x52: {  	_ =	shalt  }
0x53: {  	_ =	shalt  }
0x54: {  	_ =	shalt  }
0x55: {  	_ =	shalt  }
0x56: {  	_ =	shalt  }
0x57: {  	_ =	shalt  }
0x58: {  	_ =	shalt  }
0x59: {  	_ =	shalt  }
0x5a: {  	_ =	shalt  }
0x5b: {  	_ =	shalt  }
0x5c: {  	_ =	shalt  }
0x5d: {  	_ =	shalt  }
0x5e: {  	_ =	shalt  }
0x5f: {  	_ =	shalt  }
0x60: {  	_ =	shalt  }
0x61: {  	_ =	shalt  }
0x62: {  	_ =	shalt  }
0x63: {  	_ =	shalt  }
0x64: {  	_ =	shalt  }
0x65: {  	_ =	shalt  }
0x66: {  	_ =	shalt  }
0x67: {  	_ =	shalt  }
0x68: {  	_ =	shalt  }
0x69: {  	_ =	shalt  }
0x6a: {  	_ =	shalt  }
0x6b: {  	_ =	shalt  }
0x6c: {  	_ =	shalt  }
0x6d: {  	_ =	shalt  }
0x6e: {  	_ =	shalt  }
0x6f: {  	_ =	shalt  }
0x70: {  	_ =	shalt  }
0x71: {  	_ =	shalt  }
0x72: {  	_ =	shalt  }
0x73: {  	_ =	shalt  }
0x74: {  	_ =	shalt  }
0x75: {  	_ =	shalt  }
0x76: {  	_ =	shalt  }
0x77: {  	_ =	shalt  }
0x78: {  	_ =	shalt  }
0x79: {  	_ =	shalt  }
0x7a: {  	_ =	shalt  }
0x7b: {  	_ =	shalt  }
0x7c: {  	_ =	shalt  }
0x7d: {  	_ =	shalt  }
0x7e: {  	_ =	shalt  }
0x7f: {  	_ =	shalt  }
0x80: {  	_ =	shalt  }
0x81: {  	_ =	shalt  }
0x82: {  	_ =	shalt  }
0x83: {  	_ =	shalt  }
0x84: {  	_ =	shalt  }
0x85: {  	_ =	shalt  }
0x86: {  	_ =	shalt  }
0x87: {  	_ =	shalt  }
.Lfunc_end0:
.L_simem_size_0:
called_computation_lowered:
.L_overlay_start_0:
0x88: {  	s2 =	sld [smem:$0x3FD9]  }
0x89: {  	s3 =	sld [smem:$0x3FFE];
	_ =	sdelay $0x1  }
0x8a: {  	s1 =	srdreg.scid  }
0x8b: {  	s0 =	sand.u32 $0x1, s1  }
0x8c: {  	s17 =	sshll.u32 s0, $0xA;
	s2 =	sadd.s32 s3, s2  }
0x8d: {  	s2 =	sadd.s32 s2, s17  }
0x8e: {  	[smem:$0x3FB8] =	sst s2  }
0x8f: {  	_ = 	snop  }
0x90: {  	s2 =	sld [smem:$0x3FC7]  }
0x91: {  	s18 =	sld [smem:$0x3FD0];
	(tm) =	ssettm $0x1  }
0x92: {  	s4 =	sld [smem:$0x3FFB];
	_ =	sdelay $0x3  }
0x93: {  	_ =	strace s4  }
0x94: {  	s4 =	sld [smem:$0x3FFC];
	_ =	sdelay $0x3  }
0x95: {  	_ =	strace s4  }
0x96: {  	s4 =	sld [smem:$0x3FFD];
	_ =	sdelay $0x3  }
0x97: {  	_ =	strace s4  }
0x98: {  	_ =	strace $0x8FFFFFFF  }
0x99: {  	s19 =	sld [smem:$0x3FDB];
	_ =	sdelay $0x1  }
0x9a: {  	s5 =	simm.s32 $_scs_section_size  }
0x9b: {  	s6 =	simm.s32 $_size__tile_overlayer_lowered;
	s7 =	simm.s32 $_tile_overlayer_lowered  }
0x9c: {  	s22 =	simm.s32 $0x1BFF;
	s21 =	sshll.u32 s7, $0x1;
	s4 =	sadd.s32 s5, s19  }
0x9d: {  	s8 =	simm.s32 $0x0;
	s20 =	sshll.u32 s6, $0x1;
	s6 =	sadd.s32 s21, s4  }
0x9e: {  	[timem:s8], [sflag:s22] =	dma.local [hbm:s6], s20  }
0x9f: {  	_ =	swait.ge [sflag:s22], s20  }
0xa0: {  	s5 =	ssub.s32 $0x0, s20;
	[sflag:s22] =	ssyncset.done $0x0  }
0xa1: {  	[sflag:s22] =	ssyncadd.s32 s5;
	_ =	sdelay $0x1  }
0xa2: {  	s23 =	simm.s32 $0x1B8B  }
0xa3: {  	_ =	swait.ge [sflag:s23], $0x1  }
0xa4: {  	[sflag:s23] =	ssyncset.done $0x0  }
0xa5: {  	s25 =	simm.s32 $0x1B8E;
	s24 =	sld [smem:$0x3FFE];
	[sflag:s23] =	ssyncadd.s32 $0xFFFFFFFF  }
0xa6: {  	s26 =	simm.s32 $execute0_lowered;
	[smem:$0x3FD2] =	sst s25  }
0xa7: {  	s6 =	sshll.u32 s26, $0x1;
	_ =	strace $0x80000046;
	[dreg:$0x1] =	wrdreg $0xFFFFFFFF  }
0xa8: {  	s28 =	simm.s32 $_size_execute0_lowered;
	s4 =	sadd.s32 s4, s6;
	[dreg:$0x0] =	wrdreg $0x0  }
0xa9: {  	s6 =	sshll.u32 s28, $0x1;
	[dreg:$0x2] =	wrdreg s4  }
0xaa: {  	[dreg:$0x3] =	wrdreg s6  }
0xab: {  	[dreg:$0x4] =	wrdreg $0xC0  }
0xac: {  	_ =	task [dreg:s8], $0x5FFFF  }
0xad: {  	[dreg:$0x1] =	wrdreg $0xFFFFFFFF  }
0xae: {  	[dreg:$0x0] =	wrdreg $0x60  }
0xaf: {  	[dreg:$0x2] =	wrdreg s2  }
0xb0: {  	[dreg:$0x3] =	wrdreg s24  }
0xb1: {  	[dreg:$0x4] =	wrdreg s18  }
0xb2: {  	[dreg:$0x5] =	wrdreg $0x9  }
0xb3: {  	_ =	task.clear_ibuf [dreg:s8], $0x6FFFF;
	_ =	strace $0x90000046  }
0xb4: {  	s29 =	simm.s32 $0x9;
	_ =	strace $0x80000048  }
0xb5: {  	_ =	swait.ge [sflag:s29], $0x1  }
0xb6: {  	[sflag:s29] =	ssyncadd.s32 $0xFFFFFFFF  }
0xb7: {  	_ =	strace $0x90000048  }
0xb8: {  	_ =	sfence  }
0xb9: {  	s30 =	sld [smem:$0x0];
	_ =	sdelay $0x2  }
0xba: {  	s31 =	sshll.u32 s1, $0xD;
	s1 =	sshrl.u32 s1, $0x2  }
0xbb: {  	s3 =	sand.u32 $0x4000, s31;
	s1 =	sadd.s32 s1, s30  }
0xbc: {  	s0 =	sor.u32 s3, s0;
	s1 =	sshll.u32 s1, $0x11  }
0xbd: {  	s0 =	sor.u32 s1, s0  }
0xbe: {  	s0 =	sadd.s32 $0x8F2B, s0  }
0xbf: {  	[sflag:s0] =	ssyncadd.remote.s32 $0x1  }
0xc0: {  	_ =	sfence.sel $0xFFFF  }
0xc1: {  	[dreg:$0x0] =	wrdreg $0xFFFFFFFF;
	(pc) =	sbr.abs _section_cstart, $3  }
0xc2: {  	[dreg:$0x1] =	wrdreg $0xFFFFFFFF  }
0xc3: {  	_ =	task.clear_ibuf [dreg:s8], $0x2FFFF;
	_ =	strace $0x9FFFFFFF  }
0xc4: {  	(tm) =	ssettm $0x7FFFFFFF  }
0xc5: {  	_ =	shalt  }
tec
execute0_lowered:
.L_overlay_start_1:
0x0: {  	(tag) =	ssettag $0x1  }
0x1: {  	s1 =	rddreg [dreg:$0x0]  }
0x2: {  	s0 =	rddreg [dreg:$0x1];
	s3 =	srdreg.scid  }
0x3: {  	s4 =	rddreg [dreg:$0x2];
	s5 =	sand.u32 $0x1, s3;
	s3 =	simm.s32 $0x0  }
0x4: {  	s13 =	simm.s32 $0x80;
	[smem:$0x7FF] =	sst s3  }
0x5: {  	s14 =	simm.s32 $0x900;
	_ =	strace $0x80000047;
	[dreg:$0x8] =	wrdreg s13  }
0x6: {  	s2 =	stileid.u32;
	s15 =	simm.s32 $0x1100;
	[dreg:$0x9] =	wrdreg s14  }
0x7: {  	s16 =	simm.s32 $0x1900;
	s18 =	simm.s32 $0x2100;
	[dreg:$0xa] =	wrdreg s15  }
0x8: {  	s19 =	simm.s32 $0x2900;
	s21 =	simm.s32 $0x3100;
	[dreg:$0xb] =	wrdreg s16  }
0x9: {  	s22 =	simm.s32 $0x3900;
	s23 =	simm.s32 $0x4100;
	[dreg:$0xc] =	wrdreg s18  }
0xa: {  	s24 =	simm.s32 $0x4900;
	s25 =	simm.s32 $0x5100;
	[dreg:$0xd] =	wrdreg s19  }
0xb: {  	s26 =	simm.s32 $0x5900;
	s28 =	simm.s32 $0xE900;
	[dreg:$0xe] =	wrdreg s21  }
0xc: {  	s29 =	simm.s32 $0xF100;
	s30 =	simm.s32 $0xF900;
	[dreg:$0xf] =	wrdreg s22  }
0xd: {  	s31 =	simm.s32 $0x1;
	s6 =	sshll.u32 s2, $0x7;
	[dreg:$0x10] =	wrdreg s23  }
0xe: {  	s0 =	sadd.s32 $0x2A00, s0;
	s7 =	sshll.u32 s5, $0x6;
	[dreg:$0x11] =	wrdreg s24  }
0xf: {  	s17 =	ssub.s32 $0x2, s5;
	s6 =	sor.u32 s7, s6;
	[dreg:$0x12] =	wrdreg s25  }
0x10: {  	s5 =	sshrl.u32 s17, $0x1;
	[dreg:$0x13] =	wrdreg s26;
	s13 =	simm.s32 $0x7900  }
0x11: {  	s14 =	simm.s32 $0x8100;
	s15 =	simm.s32 $0x8900;
	s16 =	simm.s32 $0x9100  }
0x12: {  	s18 =	simm.s32 $0xA100;
	s19 =	simm.s32 $0xA900;
	s21 =	simm.s32 $0xB900  }
0x13: {  	s22 =	simm.s32 $0xC100;
	s23 =	simm.s32 $0xC900;
	s24 =	simm.s32 $0xD100  }
0x14: {  	s25 =	simm.s32 $0xD900;
	s26 =	simm.s32 $0xE100;
	s7 =	sshrl.u32 s6, $0x3  }
0x15: {  	s8 =	sor.u32 $0x20, s6;
	s6 =	sshll.u32 s6, $0x7;
	s20 =	ssub.s32 s17, s5  }
0x16: {  	s5 =	sadd.s32 $0x200, s1;
	s17 =	simm.s32 $0x9900;
	s7 =	sadd.s32 s0, s7  }
0x17: {  	s9 =	sshrl.u32 s8, $0x3;
	s10 =	sadd.s32 s4, s6;
	s11 =	sshll.u32 s8, $0x7  }
0x18: {  	s6 =	sadd.s32 $0x300, s1;
	s8 =	simm.s32 $0x3;
	[dreg:$0x4] =	wrdreg s7  }
0x19: {  	s0 =	sadd.s32 s0, s9;
	[dreg:$0x6] =	wrdreg s10;
	s12 =	sadd.s32 s4, s11  }
0x1a: {  	v2 =	vlaneseq.u32;
	s4 =	sadd.s32 $0x100, s1;
	s7 =	smax.u32 s20, $0x1;
	s9 =	simm.s32 $0x100  }
0x1b: {  	vm0 =	vmmov $0xffff;
	v1 =	vshrl.u32 v2, $0x3;
	s11 =	simm.s32 $0x6900;
	s20 =	simm.s32 $0xB100;
	[dreg:$0x5] =	wrdreg s0  }
0x1c: {  	v0 =	vand.u32 $0x7, v2;
	v2 =	vor.u32 $0x8, v2;
	v1 =	vmul.u32 $0x8, v1;
	[dreg:$0x7] =	wrdreg s12;
	s12 =	simm.s32 $0x7100;
	s0 =	simm.s32 $0x2  }
.LBB2_1:
0x1d: {  	s2 =	rddreg [dreg:$0x4]  }
0x1e: {  	[tilespmem:s3], [sflag:$0x3] =	stream.linear.gather [hbm4b:s2+s3], $0x20, $0x38;
	[tilespmem:$0x10100] =	vst v63  }
0x1f: {  	_ =	swait.ge [sflag:s8], $0x20  }
0x20: {  	s2 =	rddreg [dreg:$0x5];
	[sflag:s8] =	ssyncset.done $0x0  }
0x21: {  	s10 =	rddreg [dreg:$0x8];
	[sflag:s8] =	ssyncadd.s32 $0xFFFFFFE0  }
0x22: {  	[tilespmem:s10], [sflag:$0x3] =	stream.linear.gather [hbm4b:s2+s3], $0x20, $0x38;
	[tilespmem:$0x10100] =	vst v63  }
0x23: {  	_ =	swait.ge [sflag:s8], $0x20  }
0x24: {  	[sflag:s8] =	ssyncset.done $0x0  }
0x25: {  	[sflag:s8] =	ssyncadd.s32 $0xFFFFFFE0  }
0x26: {  	v3 =	vld [tilespmem:$0x0];
	_ =	sdelay $0x4  }
0x27: {  	v4 =	vshll.u32 v3, $0x3  }
0x28: {  	v3 =	vand.u32 $0x7, v3;
	v4 =	vand.u32 $0xFFFFFFC0, v4  }
0x29: {  	v3 =	vor.u32 v3, v4  }
0x2a: {  	v4 =	vperm.xlane v3, v0;
	_ =	sdelay $0x1  }
0x2b: {  	v4 =	vadd.s32 v1, v4;
	_ =	sdelay $0x4  }
0x2c: {  	[tilespmem:s9], [sflag:$0x1] =	stream.indirect_vreg.gather [hbm4b:s1+s3], $0x80, v4, vm0, $0xb8;
	[tilespmem:$0x10100] =	vst v63  }
0x2d: {  	s2 =	rddreg [dreg:$0x9];
	v3 =	vperm.xlane v3, v2  }
0x2e: {  	[tilespmem:s2], [sflag:$0x1] =	stream.indirect_vreg.gather [hbm4b:s4+s3], $0x80, v4, vm0, $0xb8;
	[tilespmem:$0x10100] =	vst v63  }
0x2f: {  	s10 =	rddreg [dreg:$0xa];
	v3 =	vadd.s32 v1, v3  }
0x30: {  	[tilespmem:s10], [sflag:$0x1] =	stream.indirect_vreg.gather [hbm4b:s5+s3], $0x80, v4, vm0, $0xb8;
	[tilespmem:$0x10100] =	vst v63  }
0x31: {  	s2 =	rddreg [dreg:$0xb]  }
0x32: {  	[tilespmem:s2], [sflag:$0x1] =	stream.indirect_vreg.gather [hbm4b:s6+s3], $0x80, v4, vm0, $0xb8;
	[tilespmem:$0x10100] =	vst v63  }
0x33: {  	s10 =	rddreg [dreg:$0xc]  }
0x34: {  	[tilespmem:s10], [sflag:$0x1] =	stream.indirect_vreg.gather [hbm4b:s1+s3], $0x80, v3, vm0, $0xb8;
	[tilespmem:$0x10100] =	vst v63  }
0x35: {  	s2 =	rddreg [dreg:$0xd]  }
0x36: {  	[tilespmem:s2], [sflag:$0x1] =	stream.indirect_vreg.gather [hbm4b:s4+s3], $0x80, v3, vm0, $0xb8;
	[tilespmem:$0x10100] =	vst v63  }
0x37: {  	s10 =	rddreg [dreg:$0xe]  }
0x38: {  	[tilespmem:s10], [sflag:$0x1] =	stream.indirect_vreg.gather [hbm4b:s5+s3], $0x80, v3, vm0, $0xb8;
	[tilespmem:$0x10100] =	vst v63  }
0x39: {  	s2 =	rddreg [dreg:$0xf]  }
0x3a: {  	[tilespmem:s2], [sflag:$0x1] =	stream.indirect_vreg.gather [hbm4b:s6+s3], $0x80, v3, vm0, $0xb8;
	[tilespmem:$0x10100] =	vst v63  }
0x3b: {  	v3 =	vld [tilespmem:$0x10];
	_ =	sdelay $0x4  }
0x3c: {  	v61 =	vshll.u32 v3, $0x3  }
0x3d: {  	v3 =	vand.u32 $0x7, v3;
	v4 =	vand.u32 $0xFFFFFFC0, v61  }
0x3e: {  	v3 =	vor.u32 v3, v4  }
0x3f: {  	v4 =	vperm.xlane v3, v0;
	_ =	sdelay $0x1  }
0x40: {  	v4 =	vadd.s32 v1, v4;
	_ =	sdelay $0x3  }
0x41: {  	s2 =	rddreg [dreg:$0x10]  }
0x42: {  	[tilespmem:s2], [sflag:$0x1] =	stream.indirect_vreg.gather [hbm4b:s1+s3], $0x80, v4, vm0, $0xb8;
	[tilespmem:$0x10100] =	vst v63  }
0x43: {  	s10 =	rddreg [dreg:$0x11];
	v3 =	vperm.xlane v3, v2  }
0x44: {  	[tilespmem:s10], [sflag:$0x1] =	stream.indirect_vreg.gather [hbm4b:s4+s3], $0x80, v4, vm0, $0xb8;
	[tilespmem:$0x10100] =	vst v63  }
0x45: {  	v3 =	vadd.s32 v1, v3;
	s2 =	rddreg [dreg:$0x12]  }
0x46: {  	[tilespmem:s2], [sflag:$0x1] =	stream.indirect_vreg.gather [hbm4b:s5+s3], $0x80, v4, vm0, $0xb8;
	[tilespmem:$0x10100] =	vst v63  }
0x47: {  	s10 =	rddreg [dreg:$0x13]  }
0x48: {  	[tilespmem:s10], [sflag:$0x1] =	stream.indirect_vreg.gather [hbm4b:s6+s3], $0x80, v4, vm0, $0xb8;
	[tilespmem:$0x10100] =	vst v63  }
0x49: {  	s10 =	simm.s32 $0x6100  }
0x4a: {  	[tilespmem:s10], [sflag:$0x1] =	stream.indirect_vreg.gather [hbm4b:s1+s3], $0x80, v3, vm0, $0xb8;
	[tilespmem:$0x10100] =	vst v63  }
0x4b: {  	_ = 	snop  }
0x4c: {  	[tilespmem:s11], [sflag:$0x1] =	stream.indirect_vreg.gather [hbm4b:s4+s3], $0x80, v3, vm0, $0xb8;
	[tilespmem:$0x10100] =	vst v63  }
0x4d: {  	_ = 	snop  }
0x4e: {  	[tilespmem:s12], [sflag:$0x1] =	stream.indirect_vreg.gather [hbm4b:s5+s3], $0x80, v3, vm0, $0xb8;
	[tilespmem:$0x10100] =	vst v63  }
0x4f: {  	_ = 	snop  }
0x50: {  	[tilespmem:s13], [sflag:$0x1] =	stream.indirect_vreg.gather [hbm4b:s6+s3], $0x80, v3, vm0, $0xb8;
	[tilespmem:$0x10100] =	vst v63  }
0x51: {  	v3 =	vld [tilespmem:$0x80];
	_ =	sdelay $0x4  }
0x52: {  	v62 =	vshll.u32 v3, $0x3  }
0x53: {  	v3 =	vand.u32 $0x7, v3;
	v4 =	vand.u32 $0xFFFFFFC0, v62  }
0x54: {  	v3 =	vor.u32 v3, v4  }
0x55: {  	v4 =	vperm.xlane v3, v0;
	_ =	sdelay $0x1  }
0x56: {  	v4 =	vadd.s32 v1, v4;
	_ =	sdelay $0x4  }
0x57: {  	[tilespmem:s14], [sflag:$0x2] =	stream.indirect_vreg.gather [hbm4b:s1+s3], $0x80, v4, vm0, $0xb8;
	[tilespmem:$0x10100] =	vst v63  }
0x58: {  	v3 =	vperm.xlane v3, v2  }
0x59: {  	[tilespmem:s15], [sflag:$0x2] =	stream.indirect_vreg.gather [hbm4b:s4+s3], $0x80, v4, vm0, $0xb8;
	[tilespmem:$0x10100] =	vst v63  }
0x5a: {  	v3 =	vadd.s32 v1, v3  }
0x5b: {  	[tilespmem:s16], [sflag:$0x2] =	stream.indirect_vreg.gather [hbm4b:s5+s3], $0x80, v4, vm0, $0xb8;
	[tilespmem:$0x10100] =	vst v63  }
0x5c: {  	_ = 	snop  }
0x5d: {  	[tilespmem:s17], [sflag:$0x2] =	stream.indirect_vreg.gather [hbm4b:s6+s3], $0x80, v4, vm0, $0xb8;
	[tilespmem:$0x10100] =	vst v63  }
0x5e: {  	_ = 	snop  }
0x5f: {  	[tilespmem:s18], [sflag:$0x2] =	stream.indirect_vreg.gather [hbm4b:s1+s3], $0x80, v3, vm0, $0xb8;
	[tilespmem:$0x10100] =	vst v63  }
0x60: {  	_ = 	snop  }
0x61: {  	[tilespmem:s19], [sflag:$0x2] =	stream.indirect_vreg.gather [hbm4b:s4+s3], $0x80, v3, vm0, $0xb8;
	[tilespmem:$0x10100] =	vst v63  }
0x62: {  	_ = 	snop  }
0x63: {  	[tilespmem:s20], [sflag:$0x2] =	stream.indirect_vreg.gather [hbm4b:s5+s3], $0x80, v3, vm0, $0xb8;
	[tilespmem:$0x10100] =	vst v63  }
0x64: {  	_ = 	snop  }
0x65: {  	[tilespmem:s21], [sflag:$0x2] =	stream.indirect_vreg.gather [hbm4b:s6+s3], $0x80, v3, vm0, $0xb8;
	[tilespmem:$0x10100] =	vst v63  }
0x66: {  	v3 =	vld [tilespmem:$0x90];
	_ =	sdelay $0x4  }
0x67: {  	v63 =	vshll.u32 v3, $0x3  }
0x68: {  	v3 =	vand.u32 $0x7, v3;
	v4 =	vand.u32 $0xFFFFFFC0, v63  }
0x69: {  	v3 =	vor.u32 v3, v4  }
0x6a: {  	v4 =	vperm.xlane v3, v0;
	_ =	sdelay $0x1  }
0x6b: {  	v4 =	vadd.s32 v1, v4;
	_ =	sdelay $0x4  }
0x6c: {  	[tilespmem:s22], [sflag:$0x2] =	stream.indirect_vreg.gather [hbm4b:s1+s3], $0x80, v4, vm0, $0xb8;
	[tilespmem:$0x10100] =	vst v63  }
0x6d: {  	v3 =	vperm.xlane v3, v2  }
0x6e: {  	[tilespmem:s23], [sflag:$0x2] =	stream.indirect_vreg.gather [hbm4b:s4+s3], $0x80, v4, vm0, $0xb8;
	[tilespmem:$0x10100] =	vst v63  }
0x6f: {  	v3 =	vadd.s32 v1, v3  }
0x70: {  	[tilespmem:s24], [sflag:$0x2] =	stream.indirect_vreg.gather [hbm4b:s5+s3], $0x80, v4, vm0, $0xb8;
	[tilespmem:$0x10100] =	vst v63  }
0x71: {  	_ = 	snop  }
0x72: {  	[tilespmem:s25], [sflag:$0x2] =	stream.indirect_vreg.gather [hbm4b:s6+s3], $0x80, v4, vm0, $0xb8;
	[tilespmem:$0x10100] =	vst v63  }
0x73: {  	_ = 	snop  }
0x74: {  	[tilespmem:s26], [sflag:$0x2] =	stream.indirect_vreg.gather [hbm4b:s1+s3], $0x80, v3, vm0, $0xb8;
	[tilespmem:$0x10100] =	vst v63  }
0x75: {  	_ = 	snop  }
0x76: {  	[tilespmem:s28], [sflag:$0x2] =	stream.indirect_vreg.gather [hbm4b:s4+s3], $0x80, v3, vm0, $0xb8;
	[tilespmem:$0x10100] =	vst v63  }
0x77: {  	_ = 	snop  }
0x78: {  	[tilespmem:s29], [sflag:$0x2] =	stream.indirect_vreg.gather [hbm4b:s5+s3], $0x80, v3, vm0, $0xb8;
	[tilespmem:$0x10100] =	vst v63  }
0x79: {  	_ = 	snop  }
0x7a: {  	[tilespmem:s30], [sflag:$0x2] =	stream.indirect_vreg.gather [hbm4b:s6+s3], $0x80, v3, vm0, $0xb8;
	[tilespmem:$0x10100] =	vst v63  }
0x7b: {  	_ =	swait.ge [sflag:s31], $0x8000  }
0x7c: {  	[sflag:s31] =	ssyncset.done $0x0  }
0x7d: {  	s10 =	rddreg [dreg:$0x6];
	[sflag:s31] =	ssyncadd.s32 $0xFFFF8000  }
0x7e: {  	[hbm4b:s10+s3] =	stream.linear.scatter [tilespmem:s9], [sflag:$0x3], $0x8000, $0x38;
	[tilespmem:$0x10100] =	vst v63  }
0x7f: {  	_ =	swait.ge [sflag:s8], $0x8000  }
0x80: {  	[sflag:s8] =	ssyncset.done $0x0  }
0x81: {  	[sflag:s8] =	ssyncadd.s32 $0xFFFF8000  }
0x82: {  	_ =	swait.ge [sflag:s0], $0x8000  }
0x83: {  	p0 =	sne.s32 s7, $0x1;
	[sflag:s0] =	ssyncset.done $0x0  }
.Ltmp0:
0x84: {  	s10 =	rddreg [dreg:$0x7];
	[sflag:s0] =	ssyncadd.s32 $0xFFFF8000;
	(pc) =	sbr.rel @p0 .LBB2_1-.Ltmp0, $4  }
0x85: {  	[hbm4b:s10+s3] =	stream.linear.scatter [tilespmem:s14], [sflag:$0x3], $0x8000, $0x38;
	[tilespmem:$0x10100] =	vst v63  }
0x86: {  	_ =	swait.ge [sflag:s8], $0x8000  }
0x87: {  	[sflag:s8] =	ssyncset.done $0x0  }
0x88: {  	s7 =	sadd.s32 $0xFFFFFFFF, s7;
	[sflag:s8] =	ssyncadd.s32 $0xFFFF8000  }
0x89: {  	_ =	sfence.sel $0x180000  }
0x8a: {  	[bflag:$0x0] =	sbarrier.arrive $0xFFFF  }
0x8b: {  	_ =	strace $0x90000047  }
0x8c: {  	s0 =	stileid.u32;
	[bflag:$0x2] =	sbarrier.arrive $0xFFFF  }
0x8d: {  	p0 =	sne.s32 s0, $0x0;
	s0 =	rddreg [dreg:$0x3]  }
0x8e: {  	s0 =	sadd.s32 @!p0 $0x100000, s0  }
0x8f: {  	[sflag:s0] =	ssyncadd.tile.s32 @!p0 $0x1;
	_ =	shalt  }
.Lfunc_end2:
_tile_overlayer_lowered:
.L_overlay_start_2:
0x90: {  	(tag) =	ssettag $0x2  }
0x91: {  	s0 =	rddreg [dreg:$0x0];
	s2 =	stileid.u32  }
0x92: {  	s1 =	rddreg [dreg:$0x1];
	p0 =	sne.s32 s2, $0x0  }
0x93: {  	s3 =	rddreg [dreg:$0x2];
	[bflag:$0x3] =	sbarrier.arrive $0xFFFF;
	s2 =	simm.s32 @!p0 $0x1C03  }
0x94: {  	[timem:s3], [sflag:s2] =	dma.local @!p0 [hbm:s0], s1  }
0x95: {  	s0 =	simm.s32 @!p0 $0x3  }
0x96: {  	_ =	swait.ge @!p0 [sflag:s0], s1  }
0x97: {  	s1 =	ssub.s32 @!p0 $0x0, s1;
	[sflag:s0] =	ssyncset.done @!p0 $0x0  }
0x98: {  	[sflag:s0] =	ssyncadd.s32 @!p0 s1  }
0x99: {  	[bflag:$0x3] =	sbarrier.arrive $0xFFFF  }
0x9a: {  	_ =	shalt  }

</sc_bundles>
